<compile_context>
chip_gen: v7x
topology: tpu7x:2x2x1
jax: 0.10.2.dev20260603
libtpu: 0.0.44.dev20260713+nightly
codegen_flags: <defaults>
</compile_context>

<pallas_src>
import functools

import jax
import jax.numpy as jnp
from jax import lax
from jax.experimental import pallas as pl
from jax.experimental.pallas import tpu as pltpu
from jax.experimental.pallas import tpu_sc as plsc

B = 16384
D = 32
NC = 2
NS = 16
NW = NC * NS
BPW = B // NW


def _bpr_kernel(uid_hbm, pid_hbm, nid_hbm, utab_hbm, itab_hbm,
                pos_out, neg_out,
                idx_u, idx_p, idx_n, urows, prows, nrows,
                pos_v, neg_v, sem_u, sem_p, sem_n):
    wid = lax.axis_index("s") * NC + lax.axis_index("c")
    base = wid * BPW

    pltpu.sync_copy(uid_hbm.at[pl.ds(base, BPW)], idx_u)
    pltpu.sync_copy(pid_hbm.at[pl.ds(base, BPW)], idx_p)
    pltpu.sync_copy(nid_hbm.at[pl.ds(base, BPW)], idx_n)

    cu = pltpu.async_copy(utab_hbm.at[idx_u], urows, sem_u)
    cp = pltpu.async_copy(itab_hbm.at[idx_p], prows, sem_p)
    cn = pltpu.async_copy(itab_hbm.at[idx_n], nrows, sem_n)
    cu.wait()
    cp.wait()
    cn.wait()

    lane = lax.iota(jnp.int32, 16)

    def body(g, carry):
        base_i = g * 16
        zp = jnp.zeros((16,), jnp.float32)
        zn = jnp.zeros((16,), jnp.float32)
        for j in range(16):
            i = base_i + j
            u0 = urows[i, pl.ds(0, 16)]
            u1 = urows[i, pl.ds(16, 16)]
            p0 = prows[i, pl.ds(0, 16)]
            p1 = prows[i, pl.ds(16, 16)]
            n0 = nrows[i, pl.ds(0, 16)]
            n1 = nrows[i, pl.ds(16, 16)]
            ps = jnp.sum(u0 * p0 + u1 * p1)
            ns = jnp.sum(u0 * n0 + u1 * n1)
            zp = jnp.where(lane == j, ps, zp)
            zn = jnp.where(lane == j, ns, zn)
        pos_v[pl.ds(base_i, 16)] = zp
        neg_v[pl.ds(base_i, 16)] = zn
        return carry

    lax.fori_loop(0, BPW // 16, body, 0)

    pltpu.sync_copy(pos_v, pos_out.at[pl.ds(base, BPW)])
    pltpu.sync_copy(neg_v, neg_out.at[pl.ds(base, BPW)])


def kernel(user_ids, pos_item_ids, neg_item_ids, user_table, item_table):
    mesh = plsc.VectorSubcoreMesh(core_axis_name="c", subcore_axis_name="s")
    run = functools.partial(
        pl.kernel,
        out_type=(jax.ShapeDtypeStruct((B,), jnp.float32),
                  jax.ShapeDtypeStruct((B,), jnp.float32)),
        mesh=mesh,
        compiler_params=pltpu.CompilerParams(
            needs_layout_passes=False, use_tc_tiling_on_sc=False),
        scratch_types=[
            pltpu.VMEM((BPW,), jnp.int32),
            pltpu.VMEM((BPW,), jnp.int32),
            pltpu.VMEM((BPW,), jnp.int32),
            pltpu.VMEM((BPW, D), jnp.float32),
            pltpu.VMEM((BPW, D), jnp.float32),
            pltpu.VMEM((BPW, D), jnp.float32),
            pltpu.VMEM((BPW,), jnp.float32),
            pltpu.VMEM((BPW,), jnp.float32),
            pltpu.SemaphoreType.DMA,
            pltpu.SemaphoreType.DMA,
            pltpu.SemaphoreType.DMA,
        ],
    )(_bpr_kernel)
    return run(user_ids, pos_item_ids, neg_item_ids, user_table, item_table)

# --- scband reference (transcript-rebuilt; emitter-appended) ---
"""Pipeline reference for scband-matrix-factorization-bpr-78228534329717 (READ-ONLY COPY).

The authoritative reference and input builder live on the scoring server;
editing this copy changes nothing except your own understanding.
"""

import jax, jax.numpy as jnp
import numpy as np

N_USERS = 1000000
N_ITEMS = 1000000
EMBED_DIM = 32
BATCH = 16384

def setup_inputs(seed: int = 0) -> dict:
    key = jax.random.key(seed)
    k1, k2, k3, k4, k5 = jax.random.split(key, 5)
    user_ids = jax.random.randint(k1, (BATCH,), 0, N_USERS, dtype=jnp.int64 if jax.config.jax_enable_x64 else jnp.int32)
    pos_item_ids = jax.random.randint(k2, (BATCH,), 0, N_ITEMS, dtype=jnp.int64 if jax.config.jax_enable_x64 else jnp.int32)
    neg_item_ids = jax.random.randint(k3, (BATCH,), 0, N_ITEMS, dtype=jnp.int64 if jax.config.jax_enable_x64 else jnp.int32)
    user_table = jax.random.normal(k4, (N_USERS, EMBED_DIM), dtype=jnp.float32) * 0.01
    item_table = jax.random.normal(k5, (N_ITEMS, EMBED_DIM), dtype=jnp.float32) * 0.01
    return {"user_ids": user_ids, "pos_item_ids": pos_item_ids, "neg_item_ids": neg_item_ids, "user_table": user_table, "item_table": item_table}

def reference(user_ids, pos_item_ids, neg_item_ids, user_table, item_table):
    user_emb = jnp.take(user_table, user_ids, axis=0)
    pos_emb = jnp.take(item_table, pos_item_ids, axis=0)
    neg_emb = jnp.take(item_table, neg_item_ids, axis=0)
    pos_scores = jnp.sum(user_emb * pos_emb, axis=-1)
    neg_scores = jnp.sum(user_emb * neg_emb, axis=-1)
    return (pos_scores, neg_scores)

if __name__ == "__main__":
    import jax
    _d = setup_inputs()
    print(jax.jit(kernel)(*tuple(_d.values())))

</pallas_src>

<mosaic_0001>
#map = affine_map<(d0, d1) -> (0)>
#map1 = affine_map<(d0, d1) -> (0, 0)>
module attributes {stable_mosaic.version = 14 : i64} {
  func.func @_bpr_kernel(%arg0: i32, %arg1: i32, %arg2: memref<16384xi32, #tpu.memory_space<hbm>>, %arg3: memref<16384xi32, #tpu.memory_space<hbm>>, %arg4: memref<16384xi32, #tpu.memory_space<hbm>>, %arg5: memref<1000000x32xf32, #tpu.memory_space<hbm>>, %arg6: memref<1000000x32xf32, #tpu.memory_space<hbm>>, %arg7: memref<16384xf32, #tpu.memory_space<hbm>>, %arg8: memref<16384xf32, #tpu.memory_space<hbm>>, %arg9: memref<512xi32, #tpu.memory_space<vmem>>, %arg10: memref<512xi32, #tpu.memory_space<vmem>>, %arg11: memref<512xi32, #tpu.memory_space<vmem>>, %arg12: memref<512x32xf32, #tpu.memory_space<vmem>>, %arg13: memref<512x32xf32, #tpu.memory_space<vmem>>, %arg14: memref<512x32xf32, #tpu.memory_space<vmem>>, %arg15: memref<512xf32, #tpu.memory_space<vmem>>, %arg16: memref<512xf32, #tpu.memory_space<vmem>>, %arg17: memref<!tpu.dma_semaphore, #tpu.memory_space<semaphore_mem>>, %arg18: memref<!tpu.dma_semaphore, #tpu.memory_space<semaphore_mem>>, %arg19: memref<!tpu.dma_semaphore, #tpu.memory_space<semaphore_mem>>) attributes {dimension_semantics = [#tpu.dimension_semantics<core_parallel>, #tpu.dimension_semantics<subcore_parallel>], iteration_bounds = array<i64: 2, 16>, scalar_prefetch = 0 : i64, scratch_operands = 11 : i64, tpu.core_type = #tpu.core_type<sc_vector_subcore>, window_params = [{transform_indices = #map}, {transform_indices = #map}, {transform_indices = #map}, {transform_indices = #map1}, {transform_indices = #map1}, {transform_indices = #map}, {transform_indices = #map}]} {
    %mul3A = arith.constant 2 : i32
    %mul3A_0 = arith.muli %arg1, %mul3A : i32
    %add3A = arith.addi %mul3A_0, %arg0 : i32
    %mul3A_1 = arith.constant 512 : i32
    %mul3A_2 = arith.muli %add3A, %mul3A_1 : i32
    "tpu.region"() ({
      %run_scoped3A = tpu.sem_alloc : memref<!tpu.dma_semaphore, #tpu.memory_space<semaphore_mem>>
      %dma_start3A_24 = tpu.memref_slice %arg2[%mul3A_2] : memref<16384xi32, #tpu.memory_space<hbm>> -> memref<512xi32, #tpu.memory_space<hbm>>
      %dma_start3A_25 = tpu.memref_slice %arg2[%mul3A_2] : memref<16384xi32, #tpu.memory_space<hbm>> -> memref<512xi32, #tpu.memory_space<hbm>>
      tpu.enqueue_dma source(%dma_start3A_25 : memref<512xi32, #tpu.memory_space<hbm>>) target(%arg9 : memref<512xi32, #tpu.memory_space<vmem>>) target_semaphore(%run_scoped3A : memref<!tpu.dma_semaphore, #tpu.memory_space<semaphore_mem>>)
      %dma_wait3A_26 = tpu.memref_slice %arg2[%mul3A_2] : memref<16384xi32, #tpu.memory_space<hbm>> -> memref<512xi32, #tpu.memory_space<hbm>>
      %dma_wait3A_27 = tpu.memref_slice %arg2[%mul3A_2] : memref<16384xi32, #tpu.memory_space<hbm>> -> memref<512xi32, #tpu.memory_space<hbm>>
      tpu.wait_dma2 semaphore(%run_scoped3A : memref<!tpu.dma_semaphore, #tpu.memory_space<semaphore_mem>>) src(%dma_wait3A_27 : memref<512xi32, #tpu.memory_space<hbm>>) dst(%arg9 : memref<512xi32, #tpu.memory_space<vmem>>)
      tpu.yield
    }) : () -> ()
    "tpu.region"() ({
      %run_scoped3A = tpu.sem_alloc : memref<!tpu.dma_semaphore, #tpu.memory_space<semaphore_mem>>
      %dma_start3A_24 = tpu.memref_slice %arg3[%mul3A_2] : memref<16384xi32, #tpu.memory_space<hbm>> -> memref<512xi32, #tpu.memory_space<hbm>>
      %dma_start3A_25 = tpu.memref_slice %arg3[%mul3A_2] : memref<16384xi32, #tpu.memory_space<hbm>> -> memref<512xi32, #tpu.memory_space<hbm>>
      tpu.enqueue_dma source(%dma_start3A_25 : memref<512xi32, #tpu.memory_space<hbm>>) target(%arg10 : memref<512xi32, #tpu.memory_space<vmem>>) target_semaphore(%run_scoped3A : memref<!tpu.dma_semaphore, #tpu.memory_space<semaphore_mem>>)
      %dma_wait3A_26 = tpu.memref_slice %arg3[%mul3A_2] : memref<16384xi32, #tpu.memory_space<hbm>> -> memref<512xi32, #tpu.memory_space<hbm>>
      %dma_wait3A_27 = tpu.memref_slice %arg3[%mul3A_2] : memref<16384xi32, #tpu.memory_space<hbm>> -> memref<512xi32, #tpu.memory_space<hbm>>
      tpu.wait_dma2 semaphore(%run_scoped3A : memref<!tpu.dma_semaphore, #tpu.memory_space<semaphore_mem>>) src(%dma_wait3A_27 : memref<512xi32, #tpu.memory_space<hbm>>) dst(%arg10 : memref<512xi32, #tpu.memory_space<vmem>>)
      tpu.yield
    }) : () -> ()
    "tpu.region"() ({
      %run_scoped3A = tpu.sem_alloc : memref<!tpu.dma_semaphore, #tpu.memory_space<semaphore_mem>>
      %dma_start3A_24 = tpu.memref_slice %arg4[%mul3A_2] : memref<16384xi32, #tpu.memory_space<hbm>> -> memref<512xi32, #tpu.memory_space<hbm>>
      %dma_start3A_25 = tpu.memref_slice %arg4[%mul3A_2] : memref<16384xi32, #tpu.memory_space<hbm>> -> memref<512xi32, #tpu.memory_space<hbm>>
      tpu.enqueue_dma source(%dma_start3A_25 : memref<512xi32, #tpu.memory_space<hbm>>) target(%arg11 : memref<512xi32, #tpu.memory_space<vmem>>) target_semaphore(%run_scoped3A : memref<!tpu.dma_semaphore, #tpu.memory_space<semaphore_mem>>)
      %dma_wait3A_26 = tpu.memref_slice %arg4[%mul3A_2] : memref<16384xi32, #tpu.memory_space<hbm>> -> memref<512xi32, #tpu.memory_space<hbm>>
      %dma_wait3A_27 = tpu.memref_slice %arg4[%mul3A_2] : memref<16384xi32, #tpu.memory_space<hbm>> -> memref<512xi32, #tpu.memory_space<hbm>>
      tpu.wait_dma2 semaphore(%run_scoped3A : memref<!tpu.dma_semaphore, #tpu.memory_space<semaphore_mem>>) src(%dma_wait3A_27 : memref<512xi32, #tpu.memory_space<hbm>>) dst(%arg11 : memref<512xi32, #tpu.memory_space<vmem>>)
      tpu.yield
    }) : () -> ()
    %dma_start3A = arith.constant 0 : i32
    %dma_start3A_3 = arith.constant 0 : i32
    %dma_start3A_4 = tpu.memref_slice %arg5[%dma_start3A, %dma_start3A_3] : memref<1000000x32xf32, #tpu.memory_space<hbm>> -> memref<1000000x32xf32, #tpu.memory_space<hbm>>
    tpu.enqueue_indirect_dma source(%dma_start3A_4 : memref<1000000x32xf32, #tpu.memory_space<hbm>>) target(%arg12 : memref<512x32xf32, #tpu.memory_space<vmem>>) offsets(%arg9 : memref<512xi32, #tpu.memory_space<vmem>>) semaphore(%arg17 : memref<!tpu.dma_semaphore, #tpu.memory_space<semaphore_mem>>)
    %dma_start3A_5 = arith.constant 0 : i32
    %dma_start3A_6 = arith.constant 0 : i32
    %dma_start3A_7 = tpu.memref_slice %arg6[%dma_start3A_5, %dma_start3A_6] : memref<1000000x32xf32, #tpu.memory_space<hbm>> -> memref<1000000x32xf32, #tpu.memory_space<hbm>>
    tpu.enqueue_indirect_dma source(%dma_start3A_7 : memref<1000000x32xf32, #tpu.memory_space<hbm>>) target(%arg13 : memref<512x32xf32, #tpu.memory_space<vmem>>) offsets(%arg10 : memref<512xi32, #tpu.memory_space<vmem>>) semaphore(%arg18 : memref<!tpu.dma_semaphore, #tpu.memory_space<semaphore_mem>>)
    %dma_start3A_8 = arith.constant 0 : i32
    %dma_start3A_9 = arith.constant 0 : i32
    %dma_start3A_10 = tpu.memref_slice %arg6[%dma_start3A_8, %dma_start3A_9] : memref<1000000x32xf32, #tpu.memory_space<hbm>> -> memref<1000000x32xf32, #tpu.memory_space<hbm>>
    tpu.enqueue_indirect_dma source(%dma_start3A_10 : memref<1000000x32xf32, #tpu.memory_space<hbm>>) target(%arg14 : memref<512x32xf32, #tpu.memory_space<vmem>>) offsets(%arg11 : memref<512xi32, #tpu.memory_space<vmem>>) semaphore(%arg19 : memref<!tpu.dma_semaphore, #tpu.memory_space<semaphore_mem>>)
    %dma_wait3A = arith.constant 0 : i32
    %dma_wait3A_11 = arith.constant 0 : i32
    %dma_wait3A_12 = tpu.memref_slice %arg5[%dma_wait3A, %dma_wait3A_11] : memref<1000000x32xf32, #tpu.memory_space<hbm>> -> memref<1000000x32xf32, #tpu.memory_space<hbm>>
    tpu.wait_indirect_dma semaphore(%arg17 : memref<!tpu.dma_semaphore, #tpu.memory_space<semaphore_mem>>) src(%dma_wait3A_12 : memref<1000000x32xf32, #tpu.memory_space<hbm>>) dst(%arg12 : memref<512x32xf32, #tpu.memory_space<vmem>>)
    %dma_wait3A_13 = arith.constant 0 : i32
    %dma_wait3A_14 = arith.constant 0 : i32
    %dma_wait3A_15 = tpu.memref_slice %arg6[%dma_wait3A_13, %dma_wait3A_14] : memref<1000000x32xf32, #tpu.memory_space<hbm>> -> memref<1000000x32xf32, #tpu.memory_space<hbm>>
    tpu.wait_indirect_dma semaphore(%arg18 : memref<!tpu.dma_semaphore, #tpu.memory_space<semaphore_mem>>) src(%dma_wait3A_15 : memref<1000000x32xf32, #tpu.memory_space<hbm>>) dst(%arg13 : memref<512x32xf32, #tpu.memory_space<vmem>>)
    %dma_wait3A_16 = arith.constant 0 : i32
    %dma_wait3A_17 = arith.constant 0 : i32
    %dma_wait3A_18 = tpu.memref_slice %arg6[%dma_wait3A_16, %dma_wait3A_17] : memref<1000000x32xf32, #tpu.memory_space<hbm>> -> memref<1000000x32xf32, #tpu.memory_space<hbm>>
    tpu.wait_indirect_dma semaphore(%arg19 : memref<!tpu.dma_semaphore, #tpu.memory_space<semaphore_mem>>) src(%dma_wait3A_18 : memref<1000000x32xf32, #tpu.memory_space<hbm>>) dst(%arg14 : memref<512x32xf32, #tpu.memory_space<vmem>>)
    %iota3A = tpu.iota {dimensions = array<i32: 0>} : vector<16xi32>
    %scan3A = arith.constant 0 : i32
    %scan3A_19 = arith.constant 0 : i32
    %scan3A_20 = arith.constant 32 : i32
    %scan3A_21 = arith.addi %scan3A_19, %scan3A_20 : i32
    %scan3A_22 = arith.constant 1 : i32
    scf.for %scan3A_24 = %scan3A_19 to %scan3A_21 step %scan3A_22  : i32 {
      %mul3A_25 = arith.constant 16 : i32
      %mul3A_26 = arith.muli %scan3A_24, %mul3A_25 : i32
      %broadcast_in_dim3A = arith.constant 0.000000e+00 : f32
      %broadcast_in_dim3A_27 = vector.broadcast %broadcast_in_dim3A : f32 to vector<16xf32>
      %broadcast_in_dim3A_28 = arith.constant 0.000000e+00 : f32
      %broadcast_in_dim3A_29 = vector.broadcast %broadcast_in_dim3A_28 : f32 to vector<16xf32>
      %add3A_30 = arith.constant 0 : i32
      %add3A_31 = arith.addi %mul3A_26, %add3A_30 : i32
      %get3A = arith.index_cast %add3A_31 : i32 to index
      %get3A_32 = arith.constant 0 : index
      %get3A_33 = tpu.vector_load %arg12[%get3A, %get3A_32] {strides = array<i32>} : memref<512x32xf32, #tpu.memory_space<vmem>>, vector<16xf32>,
      %get3A_34 = arith.index_cast %add3A_31 : i32 to index
      %get3A_35 = arith.constant 16 : index
      %get3A_36 = tpu.vector_load %arg12[%get3A_34, %get3A_35] {strides = array<i32>} : memref<512x32xf32, #tpu.memory_space<vmem>>, vector<16xf32>,
      %get3A_37 = arith.index_cast %add3A_31 : i32 to index
      %get3A_38 = arith.constant 0 : index
      %get3A_39 = tpu.vector_load %arg13[%get3A_37, %get3A_38] {strides = array<i32>} : memref<512x32xf32, #tpu.memory_space<vmem>>, vector<16xf32>,
      %get3A_40 = arith.index_cast %add3A_31 : i32 to index
      %get3A_41 = arith.constant 16 : index
      %get3A_42 = tpu.vector_load %arg13[%get3A_40, %get3A_41] {strides = array<i32>} : memref<512x32xf32, #tpu.memory_space<vmem>>, vector<16xf32>,
      %get3A_43 = arith.index_cast %add3A_31 : i32 to index
      %get3A_44 = arith.constant 0 : index
      %get3A_45 = tpu.vector_load %arg14[%get3A_43, %get3A_44] {strides = array<i32>} : memref<512x32xf32, #tpu.memory_space<vmem>>, vector<16xf32>,
      %get3A_46 = arith.index_cast %add3A_31 : i32 to index
      %get3A_47 = arith.constant 16 : index
      %get3A_48 = tpu.vector_load %arg14[%get3A_46, %get3A_47] {strides = array<i32>} : memref<512x32xf32, #tpu.memory_space<vmem>>, vector<16xf32>,
      %mul3A_49 = arith.mulf %get3A_33, %get3A_39 : vector<16xf32>
      %mul3A_50 = arith.mulf %get3A_36, %get3A_42 : vector<16xf32>
      %add3A_51 = arith.addf %mul3A_49, %mul3A_50 : vector<16xf32>
      %reduce_sum3A = arith.constant true
      %reduce_sum3A_52 = vector.broadcast %reduce_sum3A : i1 to vector<16xi1>
      %reduce_sum3A_53 = tpu.scan <sum>, %add3A_51 masked %reduce_sum3A_52 : vector<16xf32>, vector<16xi1> -> vector<16xf32>
      %reduce_sum3A_54 = vector.extract %reduce_sum3A_53[15] : f32 from vector<16xf32>
      %mul3A_55 = arith.mulf %get3A_33, %get3A_45 : vector<16xf32>
      %mul3A_56 = arith.mulf %get3A_36, %get3A_48 : vector<16xf32>
      %add3A_57 = arith.addf %mul3A_55, %mul3A_56 : vector<16xf32>
      %reduce_sum3A_58 = arith.constant true
      %reduce_sum3A_59 = vector.broadcast %reduce_sum3A_58 : i1 to vector<16xi1>
      %reduce_sum3A_60 = tpu.scan <sum>, %add3A_57 masked %reduce_sum3A_59 : vector<16xf32>, vector<16xi1> -> vector<16xf32>
      %reduce_sum3A_61 = vector.extract %reduce_sum3A_60[15] : f32 from vector<16xf32>
      %eq3A = arith.constant 0 : i32
      %eq3A_62 = vector.broadcast %eq3A : i32 to vector<16xi32>
      %eq3A_63 = arith.cmpi eq, %iota3A, %eq3A_62 : vector<16xi32>
      %broadcast_in_dim3A_64 = vector.broadcast %reduce_sum3A_54 : f32 to vector<16xf32>
      %select_n3A = arith.select %eq3A_63, %broadcast_in_dim3A_64, %broadcast_in_dim3A_27 : vector<16xi1>, vector<16xf32>
      %eq3A_65 = arith.constant 0 : i32
      %eq3A_66 = vector.broadcast %eq3A_65 : i32 to vector<16xi32>
      %eq3A_67 = arith.cmpi eq, %iota3A, %eq3A_66 : vector<16xi32>
      %broadcast_in_dim3A_68 = vector.broadcast %reduce_sum3A_61 : f32 to vector<16xf32>
      %select_n3A_69 = arith.select %eq3A_67, %broadcast_in_dim3A_68, %broadcast_in_dim3A_29 : vector<16xi1>, vector<16xf32>
      %add3A_70 = arith.constant 1 : i32
      %add3A_71 = arith.addi %mul3A_26, %add3A_70 : i32
      %get3A_72 = arith.index_cast %add3A_71 : i32 to index
      %get3A_73 = arith.constant 0 : index
      %get3A_74 = tpu.vector_load %arg12[%get3A_72, %get3A_73] {strides = array<i32>} : memref<512x32xf32, #tpu.memory_space<vmem>>, vector<16xf32>,
      %get3A_75 = arith.index_cast %add3A_71 : i32 to index
      %get3A_76 = arith.constant 16 : index
      %get3A_77 = tpu.vector_load %arg12[%get3A_75, %get3A_76] {strides = array<i32>} : memref<512x32xf32, #tpu.memory_space<vmem>>, vector<16xf32>,
      %get3A_78 = arith.index_cast %add3A_71 : i32 to index
      %get3A_79 = arith.constant 0 : index
      %get3A_80 = tpu.vector_load %arg13[%get3A_78, %get3A_79] {strides = array<i32>} : memref<512x32xf32, #tpu.memory_space<vmem>>, vector<16xf32>,
      %get3A_81 = arith.index_cast %add3A_71 : i32 to index
      %get3A_82 = arith.constant 16 : index
      %get3A_83 = tpu.vector_load %arg13[%get3A_81, %get3A_82] {strides = array<i32>} : memref<512x32xf32, #tpu.memory_space<vmem>>, vector<16xf32>,
      %get3A_84 = arith.index_cast %add3A_71 : i32 to index
      %get3A_85 = arith.constant 0 : index
      %get3A_86 = tpu.vector_load %arg14[%get3A_84, %get3A_85] {strides = array<i32>} : memref<512x32xf32, #tpu.memory_space<vmem>>, vector<16xf32>,
      %get3A_87 = arith.index_cast %add3A_71 : i32 to index
      %get3A_88 = arith.constant 16 : index
      %get3A_89 = tpu.vector_load %arg14[%get3A_87, %get3A_88] {strides = array<i32>} : memref<512x32xf32, #tpu.memory_space<vmem>>, vector<16xf32>,
      %mul3A_90 = arith.mulf %get3A_74, %get3A_80 : vector<16xf32>
      %mul3A_91 = arith.mulf %get3A_77, %get3A_83 : vector<16xf32>
      %add3A_92 = arith.addf %mul3A_90, %mul3A_91 : vector<16xf32>
      %reduce_sum3A_93 = arith.constant true
      %reduce_sum3A_94 = vector.broadcast %reduce_sum3A_93 : i1 to vector<16xi1>
      %reduce_sum3A_95 = tpu.scan <sum>, %add3A_92 masked %reduce_sum3A_94 : vector<16xf32>, vector<16xi1> -> vector<16xf32>
      %reduce_sum3A_96 = vector.extract %reduce_sum3A_95[15] : f32 from vector<16xf32>
      %mul3A_97 = arith.mulf %get3A_74, %get3A_86 : vector<16xf32>
      %mul3A_98 = arith.mulf %get3A_77, %get3A_89 : vector<16xf32>
      %add3A_99 = arith.addf %mul3A_97, %mul3A_98 : vector<16xf32>
      %reduce_sum3A_100 = arith.constant true
      %reduce_sum3A_101 = vector.broadcast %reduce_sum3A_100 : i1 to vector<16xi1>
      %reduce_sum3A_102 = tpu.scan <sum>, %add3A_99 masked %reduce_sum3A_101 : vector<16xf32>, vector<16xi1> -> vector<16xf32>
      %reduce_sum3A_103 = vector.extract %reduce_sum3A_102[15] : f32 from vector<16xf32>
      %eq3A_104 = arith.constant 1 : i32
      %eq3A_105 = vector.broadcast %eq3A_104 : i32 to vector<16xi32>
      %eq3A_106 = arith.cmpi eq, %iota3A, %eq3A_105 : vector<16xi32>
      %broadcast_in_dim3A_107 = vector.broadcast %reduce_sum3A_96 : f32 to vector<16xf32>
      %select_n3A_108 = arith.select %eq3A_106, %broadcast_in_dim3A_107, %select_n3A : vector<16xi1>, vector<16xf32>
      %eq3A_109 = arith.constant 1 : i32
      %eq3A_110 = vector.broadcast %eq3A_109 : i32 to vector<16xi32>
      %eq3A_111 = arith.cmpi eq, %iota3A, %eq3A_110 : vector<16xi32>
      %broadcast_in_dim3A_112 = vector.broadcast %reduce_sum3A_103 : f32 to vector<16xf32>
      %select_n3A_113 = arith.select %eq3A_111, %broadcast_in_dim3A_112, %select_n3A_69 : vector<16xi1>, vector<16xf32>
      %add3A_114 = arith.constant 2 : i32
      %add3A_115 = arith.addi %mul3A_26, %add3A_114 : i32
      %get3A_116 = arith.index_cast %add3A_115 : i32 to index
      %get3A_117 = arith.constant 0 : index
      %get3A_118 = tpu.vector_load %arg12[%get3A_116, %get3A_117] {strides = array<i32>} : memref<512x32xf32, #tpu.memory_space<vmem>>, vector<16xf32>,
      %get3A_119 = arith.index_cast %add3A_115 : i32 to index
      %get3A_120 = arith.constant 16 : index
      %get3A_121 = tpu.vector_load %arg12[%get3A_119, %get3A_120] {strides = array<i32>} : memref<512x32xf32, #tpu.memory_space<vmem>>, vector<16xf32>,
      %get3A_122 = arith.index_cast %add3A_115 : i32 to index
      %get3A_123 = arith.constant 0 : index
      %get3A_124 = tpu.vector_load %arg13[%get3A_122, %get3A_123] {strides = array<i32>} : memref<512x32xf32, #tpu.memory_space<vmem>>, vector<16xf32>,
      %get3A_125 = arith.index_cast %add3A_115 : i32 to index
      %get3A_126 = arith.constant 16 : index
      %get3A_127 = tpu.vector_load %arg13[%get3A_125, %get3A_126] {strides = array<i32>} : memref<512x32xf32, #tpu.memory_space<vmem>>, vector<16xf32>,
      %get3A_128 = arith.index_cast %add3A_115 : i32 to index
      %get3A_129 = arith.constant 0 : index
      %get3A_130 = tpu.vector_load %arg14[%get3A_128, %get3A_129] {strides = array<i32>} : memref<512x32xf32, #tpu.memory_space<vmem>>, vector<16xf32>,
      %get3A_131 = arith.index_cast %add3A_115 : i32 to index
      %get3A_132 = arith.constant 16 : index
      %get3A_133 = tpu.vector_load %arg14[%get3A_131, %get3A_132] {strides = array<i32>} : memref<512x32xf32, #tpu.memory_space<vmem>>, vector<16xf32>,
      %mul3A_134 = arith.mulf %get3A_118, %get3A_124 : vector<16xf32>
      %mul3A_135 = arith.mulf %get3A_121, %get3A_127 : vector<16xf32>
      %add3A_136 = arith.addf %mul3A_134, %mul3A_135 : vector<16xf32>
      %reduce_sum3A_137 = arith.constant true
      %reduce_sum3A_138 = vector.broadcast %reduce_sum3A_137 : i1 to vector<16xi1>
      %reduce_sum3A_139 = tpu.scan <sum>, %add3A_136 masked %reduce_sum3A_138 : vector<16xf32>, vector<16xi1> -> vector<16xf32>
      %reduce_sum3A_140 = vector.extract %reduce_sum3A_139[15] : f32 from vector<16xf32>
      %mul3A_141 = arith.mulf %get3A_118, %get3A_130 : vector<16xf32>
      %mul3A_142 = arith.mulf %get3A_121, %get3A_133 : vector<16xf32>
      %add3A_143 = arith.addf %mul3A_141, %mul3A_142 : vector<16xf32>
      %reduce_sum3A_144 = arith.constant true
      %reduce_sum3A_145 = vector.broadcast %reduce_sum3A_144 : i1 to vector<16xi1>
      %reduce_sum3A_146 = tpu.scan <sum>, %add3A_143 masked %reduce_sum3A_145 : vector<16xf32>, vector<16xi1> -> vector<16xf32>
      %reduce_sum3A_147 = vector.extract %reduce_sum3A_146[15] : f32 from vector<16xf32>
      %eq3A_148 = arith.constant 2 : i32
      %eq3A_149 = vector.broadcast %eq3A_148 : i32 to vector<16xi32>
      %eq3A_150 = arith.cmpi eq, %iota3A, %eq3A_149 : vector<16xi32>
      %broadcast_in_dim3A_151 = vector.broadcast %reduce_sum3A_140 : f32 to vector<16xf32>
      %select_n3A_152 = arith.select %eq3A_150, %broadcast_in_dim3A_151, %select_n3A_108 : vector<16xi1>, vector<16xf32>
      %eq3A_153 = arith.constant 2 : i32
      %eq3A_154 = vector.broadcast %eq3A_153 : i32 to vector<16xi32>
      %eq3A_155 = arith.cmpi eq, %iota3A, %eq3A_154 : vector<16xi32>
      %broadcast_in_dim3A_156 = vector.broadcast %reduce_sum3A_147 : f32 to vector<16xf32>
      %select_n3A_157 = arith.select %eq3A_155, %broadcast_in_dim3A_156, %select_n3A_113 : vector<16xi1>, vector<16xf32>
      %add3A_158 = arith.constant 3 : i32
      %add3A_159 = arith.addi %mul3A_26, %add3A_158 : i32
      %get3A_160 = arith.index_cast %add3A_159 : i32 to index
      %get3A_161 = arith.constant 0 : index
      %get3A_162 = tpu.vector_load %arg12[%get3A_160, %get3A_161] {strides = array<i32>} : memref<512x32xf32, #tpu.memory_space<vmem>>, vector<16xf32>,
      %get3A_163 = arith.index_cast %add3A_159 : i32 to index
      %get3A_164 = arith.constant 16 : index
      %get3A_165 = tpu.vector_load %arg12[%get3A_163, %get3A_164] {strides = array<i32>} : memref<512x32xf32, #tpu.memory_space<vmem>>, vector<16xf32>,
      %get3A_166 = arith.index_cast %add3A_159 : i32 to index
      %get3A_167 = arith.constant 0 : index
      %get3A_168 = tpu.vector_load %arg13[%get3A_166, %get3A_167] {strides = array<i32>} : memref<512x32xf32, #tpu.memory_space<vmem>>, vector<16xf32>,
      %get3A_169 = arith.index_cast %add3A_159 : i32 to index
      %get3A_170 = arith.constant 16 : index
      %get3A_171 = tpu.vector_load %arg13[%get3A_169, %get3A_170] {strides = array<i32>} : memref<512x32xf32, #tpu.memory_space<vmem>>, vector<16xf32>,
      %get3A_172 = arith.index_cast %add3A_159 : i32 to index
      %get3A_173 = arith.constant 0 : index
      %get3A_174 = tpu.vector_load %arg14[%get3A_172, %get3A_173] {strides = array<i32>} : memref<512x32xf32, #tpu.memory_space<vmem>>, vector<16xf32>,
      %get3A_175 = arith.index_cast %add3A_159 : i32 to index
      %get3A_176 = arith.constant 16 : index
      %get3A_177 = tpu.vector_load %arg14[%get3A_175, %get3A_176] {strides = array<i32>} : memref<512x32xf32, #tpu.memory_space<vmem>>, vector<16xf32>,
      %mul3A_178 = arith.mulf %get3A_162, %get3A_168 : vector<16xf32>
      %mul3A_179 = arith.mulf %get3A_165, %get3A_171 : vector<16xf32>
      %add3A_180 = arith.addf %mul3A_178, %mul3A_179 : vector<16xf32>
      %reduce_sum3A_181 = arith.constant true
      %reduce_sum3A_182 = vector.broadcast %reduce_sum3A_181 : i1 to vector<16xi1>
      %reduce_sum3A_183 = tpu.scan <sum>, %add3A_180 masked %reduce_sum3A_182 : vector<16xf32>, vector<16xi1> -> vector<16xf32>
      %reduce_sum3A_184 = vector.extract %reduce_sum3A_183[15] : f32 from vector<16xf32>
      %mul3A_185 = arith.mulf %get3A_162, %get3A_174 : vector<16xf32>
      %mul3A_186 = arith.mulf %get3A_165, %get3A_177 : vector<16xf32>
      %add3A_187 = arith.addf %mul3A_185, %mul3A_186 : vector<16xf32>
      %reduce_sum3A_188 = arith.constant true
      %reduce_sum3A_189 = vector.broadcast %reduce_sum3A_188 : i1 to vector<16xi1>
      %reduce_sum3A_190 = tpu.scan <sum>, %add3A_187 masked %reduce_sum3A_189 : vector<16xf32>, vector<16xi1> -> vector<16xf32>
      %reduce_sum3A_191 = vector.extract %reduce_sum3A_190[15] : f32 from vector<16xf32>
      %eq3A_192 = arith.constant 3 : i32
      %eq3A_193 = vector.broadcast %eq3A_192 : i32 to vector<16xi32>
      %eq3A_194 = arith.cmpi eq, %iota3A, %eq3A_193 : vector<16xi32>
      %broadcast_in_dim3A_195 = vector.broadcast %reduce_sum3A_184 : f32 to vector<16xf32>
      %select_n3A_196 = arith.select %eq3A_194, %broadcast_in_dim3A_195, %select_n3A_152 : vector<16xi1>, vector<16xf32>
      %eq3A_197 = arith.constant 3 : i32
      %eq3A_198 = vector.broadcast %eq3A_197 : i32 to vector<16xi32>
      %eq3A_199 = arith.cmpi eq, %iota3A, %eq3A_198 : vector<16xi32>
      %broadcast_in_dim3A_200 = vector.broadcast %reduce_sum3A_191 : f32 to vector<16xf32>
      %select_n3A_201 = arith.select %eq3A_199, %broadcast_in_dim3A_200, %select_n3A_157 : vector<16xi1>, vector<16xf32>
      %add3A_202 = arith.constant 4 : i32
      %add3A_203 = arith.addi %mul3A_26, %add3A_202 : i32
      %get3A_204 = arith.index_cast %add3A_203 : i32 to index
      %get3A_205 = arith.constant 0 : index
      %get3A_206 = tpu.vector_load %arg12[%get3A_204, %get3A_205] {strides = array<i32>} : memref<512x32xf32, #tpu.memory_space<vmem>>, vector<16xf32>,
      %get3A_207 = arith.index_cast %add3A_203 : i32 to index
      %get3A_208 = arith.constant 16 : index
      %get3A_209 = tpu.vector_load %arg12[%get3A_207, %get3A_208] {strides = array<i32>} : memref<512x32xf32, #tpu.memory_space<vmem>>, vector<16xf32>,
      %get3A_210 = arith.index_cast %add3A_203 : i32 to index
      %get3A_211 = arith.constant 0 : index
      %get3A_212 = tpu.vector_load %arg13[%get3A_210, %get3A_211] {strides = array<i32>} : memref<512x32xf32, #tpu.memory_space<vmem>>, vector<16xf32>,
      %get3A_213 = arith.index_cast %add3A_203 : i32 to index
      %get3A_214 = arith.constant 16 : index
      %get3A_215 = tpu.vector_load %arg13[%get3A_213, %get3A_214] {strides = array<i32>} : memref<512x32xf32, #tpu.memory_space<vmem>>, vector<16xf32>,
      %get3A_216 = arith.index_cast %add3A_203 : i32 to index
      %get3A_217 = arith.constant 0 : index
      %get3A_218 = tpu.vector_load %arg14[%get3A_216, %get3A_217] {strides = array<i32>} : memref<512x32xf32, #tpu.memory_space<vmem>>, vector<16xf32>,
      %get3A_219 = arith.index_cast %add3A_203 : i32 to index
      %get3A_220 = arith.constant 16 : index
      %get3A_221 = tpu.vector_load %arg14[%get3A_219, %get3A_220] {strides = array<i32>} : memref<512x32xf32, #tpu.memory_space<vmem>>, vector<16xf32>,
      %mul3A_222 = arith.mulf %get3A_206, %get3A_212 : vector<16xf32>
      %mul3A_223 = arith.mulf %get3A_209, %get3A_215 : vector<16xf32>
      %add3A_224 = arith.addf %mul3A_222, %mul3A_223 : vector<16xf32>
      %reduce_sum3A_225 = arith.constant true
      %reduce_sum3A_226 = vector.broadcast %reduce_sum3A_225 : i1 to vector<16xi1>
      %reduce_sum3A_227 = tpu.scan <sum>, %add3A_224 masked %reduce_sum3A_226 : vector<16xf32>, vector<16xi1> -> vector<16xf32>
      %reduce_sum3A_228 = vector.extract %reduce_sum3A_227[15] : f32 from vector<16xf32>
      %mul3A_229 = arith.mulf %get3A_206, %get3A_218 : vector<16xf32>
      %mul3A_230 = arith.mulf %get3A_209, %get3A_221 : vector<16xf32>
      %add3A_231 = arith.addf %mul3A_229, %mul3A_230 : vector<16xf32>
      %reduce_sum3A_232 = arith.constant true
      %reduce_sum3A_233 = vector.broadcast %reduce_sum3A_232 : i1 to vector<16xi1>
      %reduce_sum3A_234 = tpu.scan <sum>, %add3A_231 masked %reduce_sum3A_233 : vector<16xf32>, vector<16xi1> -> vector<16xf32>
      %reduce_sum3A_235 = vector.extract %reduce_sum3A_234[15] : f32 from vector<16xf32>
      %eq3A_236 = arith.constant 4 : i32
      %eq3A_237 = vector.broadcast %eq3A_236 : i32 to vector<16xi32>
      %eq3A_238 = arith.cmpi eq, %iota3A, %eq3A_237 : vector<16xi32>
      %broadcast_in_dim3A_239 = vector.broadcast %reduce_sum3A_228 : f32 to vector<16xf32>
      %select_n3A_240 = arith.select %eq3A_238, %broadcast_in_dim3A_239, %select_n3A_196 : vector<16xi1>, vector<16xf32>
      %eq3A_241 = arith.constant 4 : i32
      %eq3A_242 = vector.broadcast %eq3A_241 : i32 to vector<16xi32>
      %eq3A_243 = arith.cmpi eq, %iota3A, %eq3A_242 : vector<16xi32>
      %broadcast_in_dim3A_244 = vector.broadcast %reduce_sum3A_235 : f32 to vector<16xf32>
      %select_n3A_245 = arith.select %eq3A_243, %broadcast_in_dim3A_244, %select_n3A_201 : vector<16xi1>, vector<16xf32>
      %add3A_246 = arith.constant 5 : i32
      %add3A_247 = arith.addi %mul3A_26, %add3A_246 : i32
      %get3A_248 = arith.index_cast %add3A_247 : i32 to index
      %get3A_249 = arith.constant 0 : index
      %get3A_250 = tpu.vector_load %arg12[%get3A_248, %get3A_249] {strides = array<i32>} : memref<512x32xf32, #tpu.memory_space<vmem>>, vector<16xf32>,
      %get3A_251 = arith.index_cast %add3A_247 : i32 to index
      %get3A_252 = arith.constant 16 : index
      %get3A_253 = tpu.vector_load %arg12[%get3A_251, %get3A_252] {strides = array<i32>} : memref<512x32xf32, #tpu.memory_space<vmem>>, vector<16xf32>,
      %get3A_254 = arith.index_cast %add3A_247 : i32 to index
      %get3A_255 = arith.constant 0 : index
      %get3A_256 = tpu.vector_load %arg13[%get3A_254, %get3A_255] {strides = array<i32>} : memref<512x32xf32, #tpu.memory_space<vmem>>, vector<16xf32>,
      %get3A_257 = arith.index_cast %add3A_247 : i32 to index
      %get3A_258 = arith.constant 16 : index
      %get3A_259 = tpu.vector_load %arg13[%get3A_257, %get3A_258] {strides = array<i32>} : memref<512x32xf32, #tpu.memory_space<vmem>>, vector<16xf32>,
      %get3A_260 = arith.index_cast %add3A_247 : i32 to index
      %get3A_261 = arith.constant 0 : index
      %get3A_262 = tpu.vector_load %arg14[%get3A_260, %get3A_261] {strides = array<i32>} : memref<512x32xf32, #tpu.memory_space<vmem>>, vector<16xf32>,
      %get3A_263 = arith.index_cast %add3A_247 : i32 to index
      %get3A_264 = arith.constant 16 : index
      %get3A_265 = tpu.vector_load %arg14[%get3A_263, %get3A_264] {strides = array<i32>} : memref<512x32xf32, #tpu.memory_space<vmem>>, vector<16xf32>,
      %mul3A_266 = arith.mulf %get3A_250, %get3A_256 : vector<16xf32>
      %mul3A_267 = arith.mulf %get3A_253, %get3A_259 : vector<16xf32>
      %add3A_268 = arith.addf %mul3A_266, %mul3A_267 : vector<16xf32>
      %reduce_sum3A_269 = arith.constant true
      %reduce_sum3A_270 = vector.broadcast %reduce_sum3A_269 : i1 to vector<16xi1>
      %reduce_sum3A_271 = tpu.scan <sum>, %add3A_268 masked %reduce_sum3A_270 : vector<16xf32>, vector<16xi1> -> vector<16xf32>
      %reduce_sum3A_272 = vector.extract %reduce_sum3A_271[15] : f32 from vector<16xf32>
      %mul3A_273 = arith.mulf %get3A_250, %get3A_262 : vector<16xf32>
      %mul3A_274 = arith.mulf %get3A_253, %get3A_265 : vector<16xf32>
      %add3A_275 = arith.addf %mul3A_273, %mul3A_274 : vector<16xf32>
      %reduce_sum3A_276 = arith.constant true
      %reduce_sum3A_277 = vector.broadcast %reduce_sum3A_276 : i1 to vector<16xi1>
      %reduce_sum3A_278 = tpu.scan <sum>, %add3A_275 masked %reduce_sum3A_277 : vector<16xf32>, vector<16xi1> -> vector<16xf32>
      %reduce_sum3A_279 = vector.extract %reduce_sum3A_278[15] : f32 from vector<16xf32>
      %eq3A_280 = arith.constant 5 : i32
      %eq3A_281 = vector.broadcast %eq3A_280 : i32 to vector<16xi32>
      %eq3A_282 = arith.cmpi eq, %iota3A, %eq3A_281 : vector<16xi32>
      %broadcast_in_dim3A_283 = vector.broadcast %reduce_sum3A_272 : f32 to vector<16xf32>
      %select_n3A_284 = arith.select %eq3A_282, %broadcast_in_dim3A_283, %select_n3A_240 : vector<16xi1>, vector<16xf32>
      %eq3A_285 = arith.constant 5 : i32
      %eq3A_286 = vector.broadcast %eq3A_285 : i32 to vector<16xi32>
      %eq3A_287 = arith.cmpi eq, %iota3A, %eq3A_286 : vector<16xi32>
      %broadcast_in_dim3A_288 = vector.broadcast %reduce_sum3A_279 : f32 to vector<16xf32>
      %select_n3A_289 = arith.select %eq3A_287, %broadcast_in_dim3A_288, %select_n3A_245 : vector<16xi1>, vector<16xf32>
      %add3A_290 = arith.constant 6 : i32
      %add3A_291 = arith.addi %mul3A_26, %add3A_290 : i32
      %get3A_292 = arith.index_cast %add3A_291 : i32 to index
      %get3A_293 = arith.constant 0 : index
      %get3A_294 = tpu.vector_load %arg12[%get3A_292, %get3A_293] {strides = array<i32>} : memref<512x32xf32, #tpu.memory_space<vmem>>, vector<16xf32>,
      %get3A_295 = arith.index_cast %add3A_291 : i32 to index
      %get3A_296 = arith.constant 16 : index
      %get3A_297 = tpu.vector_load %arg12[%get3A_295, %get3A_296] {strides = array<i32>} : memref<512x32xf32, #tpu.memory_space<vmem>>, vector<16xf32>,
      %get3A_298 = arith.index_cast %add3A_291 : i32 to index
      %get3A_299 = arith.constant 0 : index
      %get3A_300 = tpu.vector_load %arg13[%get3A_298, %get3A_299] {strides = array<i32>} : memref<512x32xf32, #tpu.memory_space<vmem>>, vector<16xf32>,
      %get3A_301 = arith.index_cast %add3A_291 : i32 to index
      %get3A_302 = arith.constant 16 : index
      %get3A_303 = tpu.vector_load %arg13[%get3A_301, %get3A_302] {strides = array<i32>} : memref<512x32xf32, #tpu.memory_space<vmem>>, vector<16xf32>,
      %get3A_304 = arith.index_cast %add3A_291 : i32 to index
      %get3A_305 = arith.constant 0 : index
      %get3A_306 = tpu.vector_load %arg14[%get3A_304, %get3A_305] {strides = array<i32>} : memref<512x32xf32, #tpu.memory_space<vmem>>, vector<16xf32>,
      %get3A_307 = arith.index_cast %add3A_291 : i32 to index
      %get3A_308 = arith.constant 16 : index
      %get3A_309 = tpu.vector_load %arg14[%get3A_307, %get3A_308] {strides = array<i32>} : memref<512x32xf32, #tpu.memory_space<vmem>>, vector<16xf32>,
      %mul3A_310 = arith.mulf %get3A_294, %get3A_300 : vector<16xf32>
      %mul3A_311 = arith.mulf %get3A_297, %get3A_303 : vector<16xf32>
      %add3A_312 = arith.addf %mul3A_310, %mul3A_311 : vector<16xf32>
      %reduce_sum3A_313 = arith.constant true
      %reduce_sum3A_314 = vector.broadcast %reduce_sum3A_313 : i1 to vector<16xi1>
      %reduce_sum3A_315 = tpu.scan <sum>, %add3A_312 masked %reduce_sum3A_314 : vector<16xf32>, vector<16xi1> -> vector<16xf32>
      %reduce_sum3A_316 = vector.extract %reduce_sum3A_315[15] : f32 from vector<16xf32>
      %mul3A_317 = arith.mulf %get3A_294, %get3A_306 : vector<16xf32>
      %mul3A_318 = arith.mulf %get3A_297, %get3A_309 : vector<16xf32>
      %add3A_319 = arith.addf %mul3A_317, %mul3A_318 : vector<16xf32>
      %reduce_sum3A_320 = arith.constant true
      %reduce_sum3A_321 = vector.broadcast %reduce_sum3A_320 : i1 to vector<16xi1>
      %reduce_sum3A_322 = tpu.scan <sum>, %add3A_319 masked %reduce_sum3A_321 : vector<16xf32>, vector<16xi1> -> vector<16xf32>
      %reduce_sum3A_323 = vector.extract %reduce_sum3A_322[15] : f32 from vector<16xf32>
      %eq3A_324 = arith.constant 6 : i32
      %eq3A_325 = vector.broadcast %eq3A_324 : i32 to vector<16xi32>
      %eq3A_326 = arith.cmpi eq, %iota3A, %eq3A_325 : vector<16xi32>
      %broadcast_in_dim3A_327 = vector.broadcast %reduce_sum3A_316 : f32 to vector<16xf32>
      %select_n3A_328 = arith.select %eq3A_326, %broadcast_in_dim3A_327, %select_n3A_284 : vector<16xi1>, vector<16xf32>
      %eq3A_329 = arith.constant 6 : i32
      %eq3A_330 = vector.broadcast %eq3A_329 : i32 to vector<16xi32>
      %eq3A_331 = arith.cmpi eq, %iota3A, %eq3A_330 : vector<16xi32>
      %broadcast_in_dim3A_332 = vector.broadcast %reduce_sum3A_323 : f32 to vector<16xf32>
      %select_n3A_333 = arith.select %eq3A_331, %broadcast_in_dim3A_332, %select_n3A_289 : vector<16xi1>, vector<16xf32>
      %add3A_334 = arith.constant 7 : i32
      %add3A_335 = arith.addi %mul3A_26, %add3A_334 : i32
      %get3A_336 = arith.index_cast %add3A_335 : i32 to index
      %get3A_337 = arith.constant 0 : index
      %get3A_338 = tpu.vector_load %arg12[%get3A_336, %get3A_337] {strides = array<i32>} : memref<512x32xf32, #tpu.memory_space<vmem>>, vector<16xf32>,
      %get3A_339 = arith.index_cast %add3A_335 : i32 to index
      %get3A_340 = arith.constant 16 : index
      %get3A_341 = tpu.vector_load %arg12[%get3A_339, %get3A_340] {strides = array<i32>} : memref<512x32xf32, #tpu.memory_space<vmem>>, vector<16xf32>,
      %get3A_342 = arith.index_cast %add3A_335 : i32 to index
      %get3A_343 = arith.constant 0 : index
      %get3A_344 = tpu.vector_load %arg13[%get3A_342, %get3A_343] {strides = array<i32>} : memref<512x32xf32, #tpu.memory_space<vmem>>, vector<16xf32>,
      %get3A_345 = arith.index_cast %add3A_335 : i32 to index
      %get3A_346 = arith.constant 16 : index
      %get3A_347 = tpu.vector_load %arg13[%get3A_345, %get3A_346] {strides = array<i32>} : memref<512x32xf32, #tpu.memory_space<vmem>>, vector<16xf32>,
      %get3A_348 = arith.index_cast %add3A_335 : i32 to index
      %get3A_349 = arith.constant 0 : index
      %get3A_350 = tpu.vector_load %arg14[%get3A_348, %get3A_349] {strides = array<i32>} : memref<512x32xf32, #tpu.memory_space<vmem>>, vector<16xf32>,
      %get3A_351 = arith.index_cast %add3A_335 : i32 to index
      %get3A_352 = arith.constant 16 : index
      %get3A_353 = tpu.vector_load %arg14[%get3A_351, %get3A_352] {strides = array<i32>} : memref<512x32xf32, #tpu.memory_space<vmem>>, vector<16xf32>,
      %mul3A_354 = arith.mulf %get3A_338, %get3A_344 : vector<16xf32>
      %mul3A_355 = arith.mulf %get3A_341, %get3A_347 : vector<16xf32>
      %add3A_356 = arith.addf %mul3A_354, %mul3A_355 : vector<16xf32>
      %reduce_sum3A_357 = arith.constant true
      %reduce_sum3A_358 = vector.broadcast %reduce_sum3A_357 : i1 to vector<16xi1>
      %reduce_sum3A_359 = tpu.scan <sum>, %add3A_356 masked %reduce_sum3A_358 : vector<16xf32>, vector<16xi1> -> vector<16xf32>
      %reduce_sum3A_360 = vector.extract %reduce_sum3A_359[15] : f32 from vector<16xf32>
      %mul3A_361 = arith.mulf %get3A_338, %get3A_350 : vector<16xf32>
      %mul3A_362 = arith.mulf %get3A_341, %get3A_353 : vector<16xf32>
      %add3A_363 = arith.addf %mul3A_361, %mul3A_362 : vector<16xf32>
      %reduce_sum3A_364 = arith.constant true
      %reduce_sum3A_365 = vector.broadcast %reduce_sum3A_364 : i1 to vector<16xi1>
      %reduce_sum3A_366 = tpu.scan <sum>, %add3A_363 masked %reduce_sum3A_365 : vector<16xf32>, vector<16xi1> -> vector<16xf32>
      %reduce_sum3A_367 = vector.extract %reduce_sum3A_366[15] : f32 from vector<16xf32>
      %eq3A_368 = arith.constant 7 : i32
      %eq3A_369 = vector.broadcast %eq3A_368 : i32 to vector<16xi32>
      %eq3A_370 = arith.cmpi eq, %iota3A, %eq3A_369 : vector<16xi32>
      %broadcast_in_dim3A_371 = vector.broadcast %reduce_sum3A_360 : f32 to vector<16xf32>
      %select_n3A_372 = arith.select %eq3A_370, %broadcast_in_dim3A_371, %select_n3A_328 : vector<16xi1>, vector<16xf32>
      %eq3A_373 = arith.constant 7 : i32
      %eq3A_374 = vector.broadcast %eq3A_373 : i32 to vector<16xi32>
      %eq3A_375 = arith.cmpi eq, %iota3A, %eq3A_374 : vector<16xi32>
      %broadcast_in_dim3A_376 = vector.broadcast %reduce_sum3A_367 : f32 to vector<16xf32>
      %select_n3A_377 = arith.select %eq3A_375, %broadcast_in_dim3A_376, %select_n3A_333 : vector<16xi1>, vector<16xf32>
      %add3A_378 = arith.constant 8 : i32
      %add3A_379 = arith.addi %mul3A_26, %add3A_378 : i32
      %get3A_380 = arith.index_cast %add3A_379 : i32 to index
      %get3A_381 = arith.constant 0 : index
      %get3A_382 = tpu.vector_load %arg12[%get3A_380, %get3A_381] {strides = array<i32>} : memref<512x32xf32, #tpu.memory_space<vmem>>, vector<16xf32>,
      %get3A_383 = arith.index_cast %add3A_379 : i32 to index
      %get3A_384 = arith.constant 16 : index
      %get3A_385 = tpu.vector_load %arg12[%get3A_383, %get3A_384] {strides = array<i32>} : memref<512x32xf32, #tpu.memory_space<vmem>>, vector<16xf32>,
      %get3A_386 = arith.index_cast %add3A_379 : i32 to index
      %get3A_387 = arith.constant 0 : index
      %get3A_388 = tpu.vector_load %arg13[%get3A_386, %get3A_387] {strides = array<i32>} : memref<512x32xf32, #tpu.memory_space<vmem>>, vector<16xf32>,
      %get3A_389 = arith.index_cast %add3A_379 : i32 to index
      %get3A_390 = arith.constant 16 : index
      %get3A_391 = tpu.vector_load %arg13[%get3A_389, %get3A_390] {strides = array<i32>} : memref<512x32xf32, #tpu.memory_space<vmem>>, vector<16xf32>,
      %get3A_392 = arith.index_cast %add3A_379 : i32 to index
      %get3A_393 = arith.constant 0 : index
      %get3A_394 = tpu.vector_load %arg14[%get3A_392, %get3A_393] {strides = array<i32>} : memref<512x32xf32, #tpu.memory_space<vmem>>, vector<16xf32>,
      %get3A_395 = arith.index_cast %add3A_379 : i32 to index
      %get3A_396 = arith.constant 16 : index
      %get3A_397 = tpu.vector_load %arg14[%get3A_395, %get3A_396] {strides = array<i32>} : memref<512x32xf32, #tpu.memory_space<vmem>>, vector<16xf32>,
      %mul3A_398 = arith.mulf %get3A_382, %get3A_388 : vector<16xf32>
      %mul3A_399 = arith.mulf %get3A_385, %get3A_391 : vector<16xf32>
      %add3A_400 = arith.addf %mul3A_398, %mul3A_399 : vector<16xf32>
      %reduce_sum3A_401 = arith.constant true
      %reduce_sum3A_402 = vector.broadcast %reduce_sum3A_401 : i1 to vector<16xi1>
      %reduce_sum3A_403 = tpu.scan <sum>, %add3A_400 masked %reduce_sum3A_402 : vector<16xf32>, vector<16xi1> -> vector<16xf32>
      %reduce_sum3A_404 = vector.extract %reduce_sum3A_403[15] : f32 from vector<16xf32>
      %mul3A_405 = arith.mulf %get3A_382, %get3A_394 : vector<16xf32>
      %mul3A_406 = arith.mulf %get3A_385, %get3A_397 : vector<16xf32>
      %add3A_407 = arith.addf %mul3A_405, %mul3A_406 : vector<16xf32>
      %reduce_sum3A_408 = arith.constant true
      %reduce_sum3A_409 = vector.broadcast %reduce_sum3A_408 : i1 to vector<16xi1>
      %reduce_sum3A_410 = tpu.scan <sum>, %add3A_407 masked %reduce_sum3A_409 : vector<16xf32>, vector<16xi1> -> vector<16xf32>
      %reduce_sum3A_411 = vector.extract %reduce_sum3A_410[15] : f32 from vector<16xf32>
      %eq3A_412 = arith.constant 8 : i32
      %eq3A_413 = vector.broadcast %eq3A_412 : i32 to vector<16xi32>
      %eq3A_414 = arith.cmpi eq, %iota3A, %eq3A_413 : vector<16xi32>
      %broadcast_in_dim3A_415 = vector.broadcast %reduce_sum3A_404 : f32 to vector<16xf32>
      %select_n3A_416 = arith.select %eq3A_414, %broadcast_in_dim3A_415, %select_n3A_372 : vector<16xi1>, vector<16xf32>
      %eq3A_417 = arith.constant 8 : i32
      %eq3A_418 = vector.broadcast %eq3A_417 : i32 to vector<16xi32>
      %eq3A_419 = arith.cmpi eq, %iota3A, %eq3A_418 : vector<16xi32>
      %broadcast_in_dim3A_420 = vector.broadcast %reduce_sum3A_411 : f32 to vector<16xf32>
      %select_n3A_421 = arith.select %eq3A_419, %broadcast_in_dim3A_420, %select_n3A_377 : vector<16xi1>, vector<16xf32>
      %add3A_422 = arith.constant 9 : i32
      %add3A_423 = arith.addi %mul3A_26, %add3A_422 : i32
      %get3A_424 = arith.index_cast %add3A_423 : i32 to index
      %get3A_425 = arith.constant 0 : index
      %get3A_426 = tpu.vector_load %arg12[%get3A_424, %get3A_425] {strides = array<i32>} : memref<512x32xf32, #tpu.memory_space<vmem>>, vector<16xf32>,
      %get3A_427 = arith.index_cast %add3A_423 : i32 to index
      %get3A_428 = arith.constant 16 : index
      %get3A_429 = tpu.vector_load %arg12[%get3A_427, %get3A_428] {strides = array<i32>} : memref<512x32xf32, #tpu.memory_space<vmem>>, vector<16xf32>,
      %get3A_430 = arith.index_cast %add3A_423 : i32 to index
      %get3A_431 = arith.constant 0 : index
      %get3A_432 = tpu.vector_load %arg13[%get3A_430, %get3A_431] {strides = array<i32>} : memref<512x32xf32, #tpu.memory_space<vmem>>, vector<16xf32>,
      %get3A_433 = arith.index_cast %add3A_423 : i32 to index
      %get3A_434 = arith.constant 16 : index
      %get3A_435 = tpu.vector_load %arg13[%get3A_433, %get3A_434] {strides = array<i32>} : memref<512x32xf32, #tpu.memory_space<vmem>>, vector<16xf32>,
      %get3A_436 = arith.index_cast %add3A_423 : i32 to index
      %get3A_437 = arith.constant 0 : index
      %get3A_438 = tpu.vector_load %arg14[%get3A_436, %get3A_437] {strides = array<i32>} : memref<512x32xf32, #tpu.memory_space<vmem>>, vector<16xf32>,
      %get3A_439 = arith.index_cast %add3A_423 : i32 to index
      %get3A_440 = arith.constant 16 : index
      %get3A_441 = tpu.vector_load %arg14[%get3A_439, %get3A_440] {strides = array<i32>} : memref<512x32xf32, #tpu.memory_space<vmem>>, vector<16xf32>,
      %mul3A_442 = arith.mulf %get3A_426, %get3A_432 : vector<16xf32>
      %mul3A_443 = arith.mulf %get3A_429, %get3A_435 : vector<16xf32>
      %add3A_444 = arith.addf %mul3A_442, %mul3A_443 : vector<16xf32>
      %reduce_sum3A_445 = arith.constant true
      %reduce_sum3A_446 = vector.broadcast %reduce_sum3A_445 : i1 to vector<16xi1>
      %reduce_sum3A_447 = tpu.scan <sum>, %add3A_444 masked %reduce_sum3A_446 : vector<16xf32>, vector<16xi1> -> vector<16xf32>
      %reduce_sum3A_448 = vector.extract %reduce_sum3A_447[15] : f32 from vector<16xf32>
      %mul3A_449 = arith.mulf %get3A_426, %get3A_438 : vector<16xf32>
      %mul3A_450 = arith.mulf %get3A_429, %get3A_441 : vector<16xf32>
      %add3A_451 = arith.addf %mul3A_449, %mul3A_450 : vector<16xf32>
      %reduce_sum3A_452 = arith.constant true
      %reduce_sum3A_453 = vector.broadcast %reduce_sum3A_452 : i1 to vector<16xi1>
      %reduce_sum3A_454 = tpu.scan <sum>, %add3A_451 masked %reduce_sum3A_453 : vector<16xf32>, vector<16xi1> -> vector<16xf32>
      %reduce_sum3A_455 = vector.extract %reduce_sum3A_454[15] : f32 from vector<16xf32>
      %eq3A_456 = arith.constant 9 : i32
      %eq3A_457 = vector.broadcast %eq3A_456 : i32 to vector<16xi32>
      %eq3A_458 = arith.cmpi eq, %iota3A, %eq3A_457 : vector<16xi32>
      %broadcast_in_dim3A_459 = vector.broadcast %reduce_sum3A_448 : f32 to vector<16xf32>
      %select_n3A_460 = arith.select %eq3A_458, %broadcast_in_dim3A_459, %select_n3A_416 : vector<16xi1>, vector<16xf32>
      %eq3A_461 = arith.constant 9 : i32
      %eq3A_462 = vector.broadcast %eq3A_461 : i32 to vector<16xi32>
      %eq3A_463 = arith.cmpi eq, %iota3A, %eq3A_462 : vector<16xi32>
      %broadcast_in_dim3A_464 = vector.broadcast %reduce_sum3A_455 : f32 to vector<16xf32>
      %select_n3A_465 = arith.select %eq3A_463, %broadcast_in_dim3A_464, %select_n3A_421 : vector<16xi1>, vector<16xf32>
      %add3A_466 = arith.constant 10 : i32
      %add3A_467 = arith.addi %mul3A_26, %add3A_466 : i32
      %get3A_468 = arith.index_cast %add3A_467 : i32 to index
      %get3A_469 = arith.constant 0 : index
      %get3A_470 = tpu.vector_load %arg12[%get3A_468, %get3A_469] {strides = array<i32>} : memref<512x32xf32, #tpu.memory_space<vmem>>, vector<16xf32>,
      %get3A_471 = arith.index_cast %add3A_467 : i32 to index
      %get3A_472 = arith.constant 16 : index
      %get3A_473 = tpu.vector_load %arg12[%get3A_471, %get3A_472] {strides = array<i32>} : memref<512x32xf32, #tpu.memory_space<vmem>>, vector<16xf32>,
      %get3A_474 = arith.index_cast %add3A_467 : i32 to index
      %get3A_475 = arith.constant 0 : index
      %get3A_476 = tpu.vector_load %arg13[%get3A_474, %get3A_475] {strides = array<i32>} : memref<512x32xf32, #tpu.memory_space<vmem>>, vector<16xf32>,
      %get3A_477 = arith.index_cast %add3A_467 : i32 to index
      %get3A_478 = arith.constant 16 : index
      %get3A_479 = tpu.vector_load %arg13[%get3A_477, %get3A_478] {strides = array<i32>} : memref<512x32xf32, #tpu.memory_space<vmem>>, vector<16xf32>,
      %get3A_480 = arith.index_cast %add3A_467 : i32 to index
      %get3A_481 = arith.constant 0 : index
      %get3A_482 = tpu.vector_load %arg14[%get3A_480, %get3A_481] {strides = array<i32>} : memref<512x32xf32, #tpu.memory_space<vmem>>, vector<16xf32>,
      %get3A_483 = arith.index_cast %add3A_467 : i32 to index
      %get3A_484 = arith.constant 16 : index
      %get3A_485 = tpu.vector_load %arg14[%get3A_483, %get3A_484] {strides = array<i32>} : memref<512x32xf32, #tpu.memory_space<vmem>>, vector<16xf32>,
      %mul3A_486 = arith.mulf %get3A_470, %get3A_476 : vector<16xf32>
      %mul3A_487 = arith.mulf %get3A_473, %get3A_479 : vector<16xf32>
      %add3A_488 = arith.addf %mul3A_486, %mul3A_487 : vector<16xf32>
      %reduce_sum3A_489 = arith.constant true
      %reduce_sum3A_490 = vector.broadcast %reduce_sum3A_489 : i1 to vector<16xi1>
      %reduce_sum3A_491 = tpu.scan <sum>, %add3A_488 masked %reduce_sum3A_490 : vector<16xf32>, vector<16xi1> -> vector<16xf32>
      %reduce_sum3A_492 = vector.extract %reduce_sum3A_491[15] : f32 from vector<16xf32>
      %mul3A_493 = arith.mulf %get3A_470, %get3A_482 : vector<16xf32>
      %mul3A_494 = arith.mulf %get3A_473, %get3A_485 : vector<16xf32>
      %add3A_495 = arith.addf %mul3A_493, %mul3A_494 : vector<16xf32>
      %reduce_sum3A_496 = arith.constant true
      %reduce_sum3A_497 = vector.broadcast %reduce_sum3A_496 : i1 to vector<16xi1>
      %reduce_sum3A_498 = tpu.scan <sum>, %add3A_495 masked %reduce_sum3A_497 : vector<16xf32>, vector<16xi1> -> vector<16xf32>
      %reduce_sum3A_499 = vector.extract %reduce_sum3A_498[15] : f32 from vector<16xf32>
      %eq3A_500 = arith.constant 10 : i32
      %eq3A_501 = vector.broadcast %eq3A_500 : i32 to vector<16xi32>
      %eq3A_502 = arith.cmpi eq, %iota3A, %eq3A_501 : vector<16xi32>
      %broadcast_in_dim3A_503 = vector.broadcast %reduce_sum3A_492 : f32 to vector<16xf32>
      %select_n3A_504 = arith.select %eq3A_502, %broadcast_in_dim3A_503, %select_n3A_460 : vector<16xi1>, vector<16xf32>
      %eq3A_505 = arith.constant 10 : i32
      %eq3A_506 = vector.broadcast %eq3A_505 : i32 to vector<16xi32>
      %eq3A_507 = arith.cmpi eq, %iota3A, %eq3A_506 : vector<16xi32>
      %broadcast_in_dim3A_508 = vector.broadcast %reduce_sum3A_499 : f32 to vector<16xf32>
      %select_n3A_509 = arith.select %eq3A_507, %broadcast_in_dim3A_508, %select_n3A_465 : vector<16xi1>, vector<16xf32>
      %add3A_510 = arith.constant 11 : i32
      %add3A_511 = arith.addi %mul3A_26, %add3A_510 : i32
      %get3A_512 = arith.index_cast %add3A_511 : i32 to index
      %get3A_513 = arith.constant 0 : index
      %get3A_514 = tpu.vector_load %arg12[%get3A_512, %get3A_513] {strides = array<i32>} : memref<512x32xf32, #tpu.memory_space<vmem>>, vector<16xf32>,
      %get3A_515 = arith.index_cast %add3A_511 : i32 to index
      %get3A_516 = arith.constant 16 : index
      %get3A_517 = tpu.vector_load %arg12[%get3A_515, %get3A_516] {strides = array<i32>} : memref<512x32xf32, #tpu.memory_space<vmem>>, vector<16xf32>,
      %get3A_518 = arith.index_cast %add3A_511 : i32 to index
      %get3A_519 = arith.constant 0 : index
      %get3A_520 = tpu.vector_load %arg13[%get3A_518, %get3A_519] {strides = array<i32>} : memref<512x32xf32, #tpu.memory_space<vmem>>, vector<16xf32>,
      %get3A_521 = arith.index_cast %add3A_511 : i32 to index
      %get3A_522 = arith.constant 16 : index
      %get3A_523 = tpu.vector_load %arg13[%get3A_521, %get3A_522] {strides = array<i32>} : memref<512x32xf32, #tpu.memory_space<vmem>>, vector<16xf32>,
      %get3A_524 = arith.index_cast %add3A_511 : i32 to index
      %get3A_525 = arith.constant 0 : index
      %get3A_526 = tpu.vector_load %arg14[%get3A_524, %get3A_525] {strides = array<i32>} : memref<512x32xf32, #tpu.memory_space<vmem>>, vector<16xf32>,
      %get3A_527 = arith.index_cast %add3A_511 : i32 to index
      %get3A_528 = arith.constant 16 : index
      %get3A_529 = tpu.vector_load %arg14[%get3A_527, %get3A_528] {strides = array<i32>} : memref<512x32xf32, #tpu.memory_space<vmem>>, vector<16xf32>,
      %mul3A_530 = arith.mulf %get3A_514, %get3A_520 : vector<16xf32>
      %mul3A_531 = arith.mulf %get3A_517, %get3A_523 : vector<16xf32>
      %add3A_532 = arith.addf %mul3A_530, %mul3A_531 : vector<16xf32>
      %reduce_sum3A_533 = arith.constant true
      %reduce_sum3A_534 = vector.broadcast %reduce_sum3A_533 : i1 to vector<16xi1>
      %reduce_sum3A_535 = tpu.scan <sum>, %add3A_532 masked %reduce_sum3A_534 : vector<16xf32>, vector<16xi1> -> vector<16xf32>
      %reduce_sum3A_536 = vector.extract %reduce_sum3A_535[15] : f32 from vector<16xf32>
      %mul3A_537 = arith.mulf %get3A_514, %get3A_526 : vector<16xf32>
      %mul3A_538 = arith.mulf %get3A_517, %get3A_529 : vector<16xf32>
      %add3A_539 = arith.addf %mul3A_537, %mul3A_538 : vector<16xf32>
      %reduce_sum3A_540 = arith.constant true
      %reduce_sum3A_541 = vector.broadcast %reduce_sum3A_540 : i1 to vector<16xi1>
      %reduce_sum3A_542 = tpu.scan <sum>, %add3A_539 masked %reduce_sum3A_541 : vector<16xf32>, vector<16xi1> -> vector<16xf32>
      %reduce_sum3A_543 = vector.extract %reduce_sum3A_542[15] : f32 from vector<16xf32>
      %eq3A_544 = arith.constant 11 : i32
      %eq3A_545 = vector.broadcast %eq3A_544 : i32 to vector<16xi32>
      %eq3A_546 = arith.cmpi eq, %iota3A, %eq3A_545 : vector<16xi32>
      %broadcast_in_dim3A_547 = vector.broadcast %reduce_sum3A_536 : f32 to vector<16xf32>
      %select_n3A_548 = arith.select %eq3A_546, %broadcast_in_dim3A_547, %select_n3A_504 : vector<16xi1>, vector<16xf32>
      %eq3A_549 = arith.constant 11 : i32
      %eq3A_550 = vector.broadcast %eq3A_549 : i32 to vector<16xi32>
      %eq3A_551 = arith.cmpi eq, %iota3A, %eq3A_550 : vector<16xi32>
      %broadcast_in_dim3A_552 = vector.broadcast %reduce_sum3A_543 : f32 to vector<16xf32>
      %select_n3A_553 = arith.select %eq3A_551, %broadcast_in_dim3A_552, %select_n3A_509 : vector<16xi1>, vector<16xf32>
      %add3A_554 = arith.constant 12 : i32
      %add3A_555 = arith.addi %mul3A_26, %add3A_554 : i32
      %get3A_556 = arith.index_cast %add3A_555 : i32 to index
      %get3A_557 = arith.constant 0 : index
      %get3A_558 = tpu.vector_load %arg12[%get3A_556, %get3A_557] {strides = array<i32>} : memref<512x32xf32, #tpu.memory_space<vmem>>, vector<16xf32>,
      %get3A_559 = arith.index_cast %add3A_555 : i32 to index
      %get3A_560 = arith.constant 16 : index
      %get3A_561 = tpu.vector_load %arg12[%get3A_559, %get3A_560] {strides = array<i32>} : memref<512x32xf32, #tpu.memory_space<vmem>>, vector<16xf32>,
      %get3A_562 = arith.index_cast %add3A_555 : i32 to index
      %get3A_563 = arith.constant 0 : index
      %get3A_564 = tpu.vector_load %arg13[%get3A_562, %get3A_563] {strides = array<i32>} : memref<512x32xf32, #tpu.memory_space<vmem>>, vector<16xf32>,
      %get3A_565 = arith.index_cast %add3A_555 : i32 to index
      %get3A_566 = arith.constant 16 : index
      %get3A_567 = tpu.vector_load %arg13[%get3A_565, %get3A_566] {strides = array<i32>} : memref<512x32xf32, #tpu.memory_space<vmem>>, vector<16xf32>,
      %get3A_568 = arith.index_cast %add3A_555 : i32 to index
      %get3A_569 = arith.constant 0 : index
      %get3A_570 = tpu.vector_load %arg14[%get3A_568, %get3A_569] {strides = array<i32>} : memref<512x32xf32, #tpu.memory_space<vmem>>, vector<16xf32>,
      %get3A_571 = arith.index_cast %add3A_555 : i32 to index
      %get3A_572 = arith.constant 16 : index
      %get3A_573 = tpu.vector_load %arg14[%get3A_571, %get3A_572] {strides = array<i32>} : memref<512x32xf32, #tpu.memory_space<vmem>>, vector<16xf32>,
      %mul3A_574 = arith.mulf %get3A_558, %get3A_564 : vector<16xf32>
      %mul3A_575 = arith.mulf %get3A_561, %get3A_567 : vector<16xf32>
      %add3A_576 = arith.addf %mul3A_574, %mul3A_575 : vector<16xf32>
      %reduce_sum3A_577 = arith.constant true
      %reduce_sum3A_578 = vector.broadcast %reduce_sum3A_577 : i1 to vector<16xi1>
      %reduce_sum3A_579 = tpu.scan <sum>, %add3A_576 masked %reduce_sum3A_578 : vector<16xf32>, vector<16xi1> -> vector<16xf32>
      %reduce_sum3A_580 = vector.extract %reduce_sum3A_579[15] : f32 from vector<16xf32>
      %mul3A_581 = arith.mulf %get3A_558, %get3A_570 : vector<16xf32>
      %mul3A_582 = arith.mulf %get3A_561, %get3A_573 : vector<16xf32>
      %add3A_583 = arith.addf %mul3A_581, %mul3A_582 : vector<16xf32>
      %reduce_sum3A_584 = arith.constant true
      %reduce_sum3A_585 = vector.broadcast %reduce_sum3A_584 : i1 to vector<16xi1>
      %reduce_sum3A_586 = tpu.scan <sum>, %add3A_583 masked %reduce_sum3A_585 : vector<16xf32>, vector<16xi1> -> vector<16xf32>
      %reduce_sum3A_587 = vector.extract %reduce_sum3A_586[15] : f32 from vector<16xf32>
      %eq3A_588 = arith.constant 12 : i32
      %eq3A_589 = vector.broadcast %eq3A_588 : i32 to vector<16xi32>
      %eq3A_590 = arith.cmpi eq, %iota3A, %eq3A_589 : vector<16xi32>
      %broadcast_in_dim3A_591 = vector.broadcast %reduce_sum3A_580 : f32 to vector<16xf32>
      %select_n3A_592 = arith.select %eq3A_590, %broadcast_in_dim3A_591, %select_n3A_548 : vector<16xi1>, vector<16xf32>
      %eq3A_593 = arith.constant 12 : i32
      %eq3A_594 = vector.broadcast %eq3A_593 : i32 to vector<16xi32>
      %eq3A_595 = arith.cmpi eq, %iota3A, %eq3A_594 : vector<16xi32>
      %broadcast_in_dim3A_596 = vector.broadcast %reduce_sum3A_587 : f32 to vector<16xf32>
      %select_n3A_597 = arith.select %eq3A_595, %broadcast_in_dim3A_596, %select_n3A_553 : vector<16xi1>, vector<16xf32>
      %add3A_598 = arith.constant 13 : i32
      %add3A_599 = arith.addi %mul3A_26, %add3A_598 : i32
      %get3A_600 = arith.index_cast %add3A_599 : i32 to index
      %get3A_601 = arith.constant 0 : index
      %get3A_602 = tpu.vector_load %arg12[%get3A_600, %get3A_601] {strides = array<i32>} : memref<512x32xf32, #tpu.memory_space<vmem>>, vector<16xf32>,
      %get3A_603 = arith.index_cast %add3A_599 : i32 to index
      %get3A_604 = arith.constant 16 : index
      %get3A_605 = tpu.vector_load %arg12[%get3A_603, %get3A_604] {strides = array<i32>} : memref<512x32xf32, #tpu.memory_space<vmem>>, vector<16xf32>,
      %get3A_606 = arith.index_cast %add3A_599 : i32 to index
      %get3A_607 = arith.constant 0 : index
      %get3A_608 = tpu.vector_load %arg13[%get3A_606, %get3A_607] {strides = array<i32>} : memref<512x32xf32, #tpu.memory_space<vmem>>, vector<16xf32>,
      %get3A_609 = arith.index_cast %add3A_599 : i32 to index
      %get3A_610 = arith.constant 16 : index
      %get3A_611 = tpu.vector_load %arg13[%get3A_609, %get3A_610] {strides = array<i32>} : memref<512x32xf32, #tpu.memory_space<vmem>>, vector<16xf32>,
      %get3A_612 = arith.index_cast %add3A_599 : i32 to index
      %get3A_613 = arith.constant 0 : index
      %get3A_614 = tpu.vector_load %arg14[%get3A_612, %get3A_613] {strides = array<i32>} : memref<512x32xf32, #tpu.memory_space<vmem>>, vector<16xf32>,
      %get3A_615 = arith.index_cast %add3A_599 : i32 to index
      %get3A_616 = arith.constant 16 : index
      %get3A_617 = tpu.vector_load %arg14[%get3A_615, %get3A_616] {strides = array<i32>} : memref<512x32xf32, #tpu.memory_space<vmem>>, vector<16xf32>,
      %mul3A_618 = arith.mulf %get3A_602, %get3A_608 : vector<16xf32>
      %mul3A_619 = arith.mulf %get3A_605, %get3A_611 : vector<16xf32>
      %add3A_620 = arith.addf %mul3A_618, %mul3A_619 : vector<16xf32>
      %reduce_sum3A_621 = arith.constant true
      %reduce_sum3A_622 = vector.broadcast %reduce_sum3A_621 : i1 to vector<16xi1>
      %reduce_sum3A_623 = tpu.scan <sum>, %add3A_620 masked %reduce_sum3A_622 : vector<16xf32>, vector<16xi1> -> vector<16xf32>
      %reduce_sum3A_624 = vector.extract %reduce_sum3A_623[15] : f32 from vector<16xf32>
      %mul3A_625 = arith.mulf %get3A_602, %get3A_614 : vector<16xf32>
      %mul3A_626 = arith.mulf %get3A_605, %get3A_617 : vector<16xf32>
      %add3A_627 = arith.addf %mul3A_625, %mul3A_626 : vector<16xf32>
      %reduce_sum3A_628 = arith.constant true
      %reduce_sum3A_629 = vector.broadcast %reduce_sum3A_628 : i1 to vector<16xi1>
      %reduce_sum3A_630 = tpu.scan <sum>, %add3A_627 masked %reduce_sum3A_629 : vector<16xf32>, vector<16xi1> -> vector<16xf32>
      %reduce_sum3A_631 = vector.extract %reduce_sum3A_630[15] : f32 from vector<16xf32>
      %eq3A_632 = arith.constant 13 : i32
      %eq3A_633 = vector.broadcast %eq3A_632 : i32 to vector<16xi32>
      %eq3A_634 = arith.cmpi eq, %iota3A, %eq3A_633 : vector<16xi32>
      %broadcast_in_dim3A_635 = vector.broadcast %reduce_sum3A_624 : f32 to vector<16xf32>
      %select_n3A_636 = arith.select %eq3A_634, %broadcast_in_dim3A_635, %select_n3A_592 : vector<16xi1>, vector<16xf32>
      %eq3A_637 = arith.constant 13 : i32
      %eq3A_638 = vector.broadcast %eq3A_637 : i32 to vector<16xi32>
      %eq3A_639 = arith.cmpi eq, %iota3A, %eq3A_638 : vector<16xi32>
      %broadcast_in_dim3A_640 = vector.broadcast %reduce_sum3A_631 : f32 to vector<16xf32>
      %select_n3A_641 = arith.select %eq3A_639, %broadcast_in_dim3A_640, %select_n3A_597 : vector<16xi1>, vector<16xf32>
      %add3A_642 = arith.constant 14 : i32
      %add3A_643 = arith.addi %mul3A_26, %add3A_642 : i32
      %get3A_644 = arith.index_cast %add3A_643 : i32 to index
      %get3A_645 = arith.constant 0 : index
      %get3A_646 = tpu.vector_load %arg12[%get3A_644, %get3A_645] {strides = array<i32>} : memref<512x32xf32, #tpu.memory_space<vmem>>, vector<16xf32>,
      %get3A_647 = arith.index_cast %add3A_643 : i32 to index
      %get3A_648 = arith.constant 16 : index
      %get3A_649 = tpu.vector_load %arg12[%get3A_647, %get3A_648] {strides = array<i32>} : memref<512x32xf32, #tpu.memory_space<vmem>>, vector<16xf32>,
      %get3A_650 = arith.index_cast %add3A_643 : i32 to index
      %get3A_651 = arith.constant 0 : index
      %get3A_652 = tpu.vector_load %arg13[%get3A_650, %get3A_651] {strides = array<i32>} : memref<512x32xf32, #tpu.memory_space<vmem>>, vector<16xf32>,
      %get3A_653 = arith.index_cast %add3A_643 : i32 to index
      %get3A_654 = arith.constant 16 : index
      %get3A_655 = tpu.vector_load %arg13[%get3A_653, %get3A_654] {strides = array<i32>} : memref<512x32xf32, #tpu.memory_space<vmem>>, vector<16xf32>,
      %get3A_656 = arith.index_cast %add3A_643 : i32 to index
      %get3A_657 = arith.constant 0 : index
      %get3A_658 = tpu.vector_load %arg14[%get3A_656, %get3A_657] {strides = array<i32>} : memref<512x32xf32, #tpu.memory_space<vmem>>, vector<16xf32>,
      %get3A_659 = arith.index_cast %add3A_643 : i32 to index
      %get3A_660 = arith.constant 16 : index
      %get3A_661 = tpu.vector_load %arg14[%get3A_659, %get3A_660] {strides = array<i32>} : memref<512x32xf32, #tpu.memory_space<vmem>>, vector<16xf32>,
      %mul3A_662 = arith.mulf %get3A_646, %get3A_652 : vector<16xf32>
      %mul3A_663 = arith.mulf %get3A_649, %get3A_655 : vector<16xf32>
      %add3A_664 = arith.addf %mul3A_662, %mul3A_663 : vector<16xf32>
      %reduce_sum3A_665 = arith.constant true
      %reduce_sum3A_666 = vector.broadcast %reduce_sum3A_665 : i1 to vector<16xi1>
      %reduce_sum3A_667 = tpu.scan <sum>, %add3A_664 masked %reduce_sum3A_666 : vector<16xf32>, vector<16xi1> -> vector<16xf32>
      %reduce_sum3A_668 = vector.extract %reduce_sum3A_667[15] : f32 from vector<16xf32>
      %mul3A_669 = arith.mulf %get3A_646, %get3A_658 : vector<16xf32>
      %mul3A_670 = arith.mulf %get3A_649, %get3A_661 : vector<16xf32>
      %add3A_671 = arith.addf %mul3A_669, %mul3A_670 : vector<16xf32>
      %reduce_sum3A_672 = arith.constant true
      %reduce_sum3A_673 = vector.broadcast %reduce_sum3A_672 : i1 to vector<16xi1>
      %reduce_sum3A_674 = tpu.scan <sum>, %add3A_671 masked %reduce_sum3A_673 : vector<16xf32>, vector<16xi1> -> vector<16xf32>
      %reduce_sum3A_675 = vector.extract %reduce_sum3A_674[15] : f32 from vector<16xf32>
      %eq3A_676 = arith.constant 14 : i32
      %eq3A_677 = vector.broadcast %eq3A_676 : i32 to vector<16xi32>
      %eq3A_678 = arith.cmpi eq, %iota3A, %eq3A_677 : vector<16xi32>
      %broadcast_in_dim3A_679 = vector.broadcast %reduce_sum3A_668 : f32 to vector<16xf32>
      %select_n3A_680 = arith.select %eq3A_678, %broadcast_in_dim3A_679, %select_n3A_636 : vector<16xi1>, vector<16xf32>
      %eq3A_681 = arith.constant 14 : i32
      %eq3A_682 = vector.broadcast %eq3A_681 : i32 to vector<16xi32>
      %eq3A_683 = arith.cmpi eq, %iota3A, %eq3A_682 : vector<16xi32>
      %broadcast_in_dim3A_684 = vector.broadcast %reduce_sum3A_675 : f32 to vector<16xf32>
      %select_n3A_685 = arith.select %eq3A_683, %broadcast_in_dim3A_684, %select_n3A_641 : vector<16xi1>, vector<16xf32>
      %add3A_686 = arith.constant 15 : i32
      %add3A_687 = arith.addi %mul3A_26, %add3A_686 : i32
      %get3A_688 = arith.index_cast %add3A_687 : i32 to index
      %get3A_689 = arith.constant 0 : index
      %get3A_690 = tpu.vector_load %arg12[%get3A_688, %get3A_689] {strides = array<i32>} : memref<512x32xf32, #tpu.memory_space<vmem>>, vector<16xf32>,
      %get3A_691 = arith.index_cast %add3A_687 : i32 to index
      %get3A_692 = arith.constant 16 : index
      %get3A_693 = tpu.vector_load %arg12[%get3A_691, %get3A_692] {strides = array<i32>} : memref<512x32xf32, #tpu.memory_space<vmem>>, vector<16xf32>,
      %get3A_694 = arith.index_cast %add3A_687 : i32 to index
      %get3A_695 = arith.constant 0 : index
      %get3A_696 = tpu.vector_load %arg13[%get3A_694, %get3A_695] {strides = array<i32>} : memref<512x32xf32, #tpu.memory_space<vmem>>, vector<16xf32>,
      %get3A_697 = arith.index_cast %add3A_687 : i32 to index
      %get3A_698 = arith.constant 16 : index
      %get3A_699 = tpu.vector_load %arg13[%get3A_697, %get3A_698] {strides = array<i32>} : memref<512x32xf32, #tpu.memory_space<vmem>>, vector<16xf32>,
      %get3A_700 = arith.index_cast %add3A_687 : i32 to index
      %get3A_701 = arith.constant 0 : index
      %get3A_702 = tpu.vector_load %arg14[%get3A_700, %get3A_701] {strides = array<i32>} : memref<512x32xf32, #tpu.memory_space<vmem>>, vector<16xf32>,
      %get3A_703 = arith.index_cast %add3A_687 : i32 to index
      %get3A_704 = arith.constant 16 : index
      %get3A_705 = tpu.vector_load %arg14[%get3A_703, %get3A_704] {strides = array<i32>} : memref<512x32xf32, #tpu.memory_space<vmem>>, vector<16xf32>,
      %mul3A_706 = arith.mulf %get3A_690, %get3A_696 : vector<16xf32>
      %mul3A_707 = arith.mulf %get3A_693, %get3A_699 : vector<16xf32>
      %add3A_708 = arith.addf %mul3A_706, %mul3A_707 : vector<16xf32>
      %reduce_sum3A_709 = arith.constant true
      %reduce_sum3A_710 = vector.broadcast %reduce_sum3A_709 : i1 to vector<16xi1>
      %reduce_sum3A_711 = tpu.scan <sum>, %add3A_708 masked %reduce_sum3A_710 : vector<16xf32>, vector<16xi1> -> vector<16xf32>
      %reduce_sum3A_712 = vector.extract %reduce_sum3A_711[15] : f32 from vector<16xf32>
      %mul3A_713 = arith.mulf %get3A_690, %get3A_702 : vector<16xf32>
      %mul3A_714 = arith.mulf %get3A_693, %get3A_705 : vector<16xf32>
      %add3A_715 = arith.addf %mul3A_713, %mul3A_714 : vector<16xf32>
      %reduce_sum3A_716 = arith.constant true
      %reduce_sum3A_717 = vector.broadcast %reduce_sum3A_716 : i1 to vector<16xi1>
      %reduce_sum3A_718 = tpu.scan <sum>, %add3A_715 masked %reduce_sum3A_717 : vector<16xf32>, vector<16xi1> -> vector<16xf32>
      %reduce_sum3A_719 = vector.extract %reduce_sum3A_718[15] : f32 from vector<16xf32>
      %eq3A_720 = arith.constant 15 : i32
      %eq3A_721 = vector.broadcast %eq3A_720 : i32 to vector<16xi32>
      %eq3A_722 = arith.cmpi eq, %iota3A, %eq3A_721 : vector<16xi32>
      %broadcast_in_dim3A_723 = vector.broadcast %reduce_sum3A_712 : f32 to vector<16xf32>
      %select_n3A_724 = arith.select %eq3A_722, %broadcast_in_dim3A_723, %select_n3A_680 : vector<16xi1>, vector<16xf32>
      %eq3A_725 = arith.constant 15 : i32
      %eq3A_726 = vector.broadcast %eq3A_725 : i32 to vector<16xi32>
      %eq3A_727 = arith.cmpi eq, %iota3A, %eq3A_726 : vector<16xi32>
      %broadcast_in_dim3A_728 = vector.broadcast %reduce_sum3A_719 : f32 to vector<16xf32>
      %select_n3A_729 = arith.select %eq3A_727, %broadcast_in_dim3A_728, %select_n3A_685 : vector<16xi1>, vector<16xf32>
      %swap3A = arith.index_cast %mul3A_26 : i32 to index
      %swap3A_730 = tpu.vector_load %arg15[%swap3A] {strides = array<i32>} : memref<512xf32, #tpu.memory_space<vmem>>, vector<16xf32>,
      tpu.vector_store %arg15[%swap3A], %select_n3A_724 {strides = array<i32>} : memref<512xf32, #tpu.memory_space<vmem>>, vector<16xf32>,
      %swap3A_731 = arith.index_cast %mul3A_26 : i32 to index
      %swap3A_732 = tpu.vector_load %arg16[%swap3A_731] {strides = array<i32>} : memref<512xf32, #tpu.memory_space<vmem>>, vector<16xf32>,
      tpu.vector_store %arg16[%swap3A_731], %select_n3A_729 {strides = array<i32>} : memref<512xf32, #tpu.memory_space<vmem>>, vector<16xf32>,
    }
    %scan3A_23 = arith.constant 32 : i32
    "tpu.region"() ({
      %run_scoped3A = tpu.sem_alloc : memref<!tpu.dma_semaphore, #tpu.memory_space<semaphore_mem>>
      %dma_start3A_24 = tpu.memref_slice %arg7[%mul3A_2] : memref<16384xf32, #tpu.memory_space<hbm>> -> memref<512xf32, #tpu.memory_space<hbm>>
      %dma_start3A_25 = tpu.memref_slice %arg7[%mul3A_2] : memref<16384xf32, #tpu.memory_space<hbm>> -> memref<512xf32, #tpu.memory_space<hbm>>
      tpu.enqueue_dma source(%arg15 : memref<512xf32, #tpu.memory_space<vmem>>) target(%dma_start3A_25 : memref<512xf32, #tpu.memory_space<hbm>>) target_semaphore(%run_scoped3A : memref<!tpu.dma_semaphore, #tpu.memory_space<semaphore_mem>>)
      %dma_wait3A_26 = tpu.memref_slice %arg7[%mul3A_2] : memref<16384xf32, #tpu.memory_space<hbm>> -> memref<512xf32, #tpu.memory_space<hbm>>
      %dma_wait3A_27 = tpu.memref_slice %arg7[%mul3A_2] : memref<16384xf32, #tpu.memory_space<hbm>> -> memref<512xf32, #tpu.memory_space<hbm>>
      tpu.wait_dma2 semaphore(%run_scoped3A : memref<!tpu.dma_semaphore, #tpu.memory_space<semaphore_mem>>) src(%arg15 : memref<512xf32, #tpu.memory_space<vmem>>) dst(%dma_wait3A_27 : memref<512xf32, #tpu.memory_space<hbm>>)
      tpu.yield
    }) : () -> ()
    "tpu.region"() ({
      %run_scoped3A = tpu.sem_alloc : memref<!tpu.dma_semaphore, #tpu.memory_space<semaphore_mem>>
      %dma_start3A_24 = tpu.memref_slice %arg8[%mul3A_2] : memref<16384xf32, #tpu.memory_space<hbm>> -> memref<512xf32, #tpu.memory_space<hbm>>
      %dma_start3A_25 = tpu.memref_slice %arg8[%mul3A_2] : memref<16384xf32, #tpu.memory_space<hbm>> -> memref<512xf32, #tpu.memory_space<hbm>>
      tpu.enqueue_dma source(%arg16 : memref<512xf32, #tpu.memory_space<vmem>>) target(%dma_start3A_25 : memref<512xf32, #tpu.memory_space<hbm>>) target_semaphore(%run_scoped3A : memref<!tpu.dma_semaphore, #tpu.memory_space<semaphore_mem>>)
      %dma_wait3A_26 = tpu.memref_slice %arg8[%mul3A_2] : memref<16384xf32, #tpu.memory_space<hbm>> -> memref<512xf32, #tpu.memory_space<hbm>>
      %dma_wait3A_27 = tpu.memref_slice %arg8[%mul3A_2] : memref<16384xf32, #tpu.memory_space<hbm>> -> memref<512xf32, #tpu.memory_space<hbm>>
      tpu.wait_dma2 semaphore(%run_scoped3A : memref<!tpu.dma_semaphore, #tpu.memory_space<semaphore_mem>>) src(%arg16 : memref<512xf32, #tpu.memory_space<vmem>>) dst(%dma_wait3A_27 : memref<512xf32, #tpu.memory_space<hbm>>)
      tpu.yield
    }) : () -> ()
    return
  }
}

</mosaic_0001>

<sc_bundles>
// kernel: kernel.3.cloned.1.call-start
scs
__scs_entry_jumppad:
0x0: {  	(pc) =	sbr.rel $0x88, $3  }
0x1: {  	(tag) =	ssettag $0x0;
	lr =	simm.s32 $0x1  }
0x2: {  	[smem:$0x3F9C] =	sst lr;
	_ =	strace $0xD0000000  }
0x3: {  	_ = 	snop  }
0x4: {  	_ = 	snop  }
0x5: {  	_ = 	snop  }
0x6: {  	_ = 	snop  }
0x7: {  	_ = 	snop  }
__scs_overlays_trampoline_lowered:
0x8: {  	[smem:$0x3FAB] =	sst s0  }
0x9: {  	[smem:$0x3FAC] =	sst s1  }
0xa: {  	[smem:$0x3FAD] =	sst s2  }
0xb: {  	[smem:$0x3FAE] =	sst s3  }
0xc: {  	[smem:$0x3FAF] =	sst s4  }
0xd: {  	[smem:$0x3FB0] =	sst s5  }
0xe: {  	[smem:$0x3FB1] =	sst s6  }
0xf: {  	[smem:$0x3FB2] =	sst s7  }
0x10: {  	[smem:$0x3FB3] =	sst s8  }
0x11: {  	[smem:$0x3FB4] =	sst s9;
	s0 =	simm.s32 @!p0 $0x0  }
0x12: {  	s1 =	sld [smem:$0x3F9A];
	s0 =	simm.s32 @p0 $0x1  }
0x13: {  	[smem:$0x3FB5] =	sst s0;
	s0 =	simm.s32 @!p1 $0x0  }
0x14: {  	s2 =	sld [smem:$0x3F99];
	s0 =	simm.s32 @p1 $0x1  }
0x15: {  	[smem:$0x3FB6] =	sst s0;
	s0 =	simm.s32 @!p2 $0x0  }
0x16: {  	s3 =	sld [smem:$0x3FDB];
	s0 =	simm.s32 @p2 $0x1  }
0x17: {  	s4 =	simm.s32 $0x1BF5;
	[smem:$0x3FB8] =	sst s0  }
0x18: {  	s0 =	sld [smem:$0x3F9B];
	_ =	swait.ge [sflag:s4], $0x0  }
0x19: {  	s7 =	sld [smem:$0x3F9C]  }
0x1a: {  	s8 =	sadd.s32 $0xFFFFE003, lr  }
0x1b: {  	s9 =	sadd.s32 $0xFFFFFEF7, lr;
	s5 =	simm.s32 $0xFFFFFFFF;
	p2 =	slt.u32 s8, $0xFFFFF086  }
0x1c: {  	p1 =	slt.u32 s9, $0xF7A;
	s5 =	simm.s32 @!p2 $0x0  }
0x1d: {  	s5 =	simm.s32 @p1 $0x1;
	p0 =	seq.s32 s7, s2  }
0x1e: {  	s7 =	smul.u32 @!p0 $0xF7A, s2;
	p2 =	seq.s32 @!p0 s5, $0x0  }
0x1f: {  	s9 =	smul.u32 $0xF7A, s1;
	s8 =	simm.s32 @!p0 $0x1BF5;
	p2 =	por !p2, p0  }
0x20: {  	[sflag:s8] =	ssyncset.s32 @!p0 $0xFFFFF086;
	s6 =	sadd.s32 @!p0 s3, s7;
	s7 =	simm.s32 @!p0 $0x108  }
0x21: {  	s3 =	sadd.s32 s3, s9;
	s6 =	sadd.s32 @!p0 $0x88, s6;
	s7 =	simm.s32 @p2 $0x1082  }
0x22: {  	[simem:s7], [sflag:s8] =	dma.local @!p0 [hbm:s6], $0xF7A  }
0x23: {  	s9 =	sor.u32 $0xD0000000, s2;
	s6 =	simm.s32 $0x108;
	_ =	swait.ge @!p0 [sflag:s8], $0x0  }
0x24: {  	s3 =	sadd.s32 $0x88, s3;
	s6 =	simm.s32 @!p1 $0x1082;
	[sflag:s4] =	ssyncset.s32 $0xFFFFF086  }
0x25: {  	[simem:s6], [sflag:s4] =	dma.local [hbm:s3], $0xF7A  }
0x26: {  	[smem:$0x3F9C] =	sst s1;
	(tag) =	ssettag s2;
	_ =	strace s9  }
0x27: {  	s1 =	sld [smem:$0x3FAC]  }
0x28: {  	s2 =	sld [smem:$0x3FAD]  }
0x29: {  	s4 =	sld [smem:$0x3FAF]  }
0x2a: {  	p0 =	seq.s32 s5, $0x0;
	s5 =	sld [smem:$0x3FB0]  }
0x2b: {  	s6 =	sld [smem:$0x3FB1]  }
0x2c: {  	s7 =	sld [smem:$0x3FB2]  }
0x2d: {  	s3 =	simm.s32 $0x108;
	s8 =	sld [smem:$0x3FB3]  }
0x2e: {  	s3 =	simm.s32 @!p0 $0x1082;
	s9 =	sld [smem:$0x3FB4]  }
0x2f: {  	lr =	sadd.s32 s0, s3;
	s0 =	sld [smem:$0x3FAB]  }
0x30: {  	s3 =	sld [smem:$0x3FAE]  }
0x31: {  	[smem:$0x3FB7] =	sst s10  }
0x32: {  	s10 =	sld [smem:$0x3FB5];
	_ =	sdelay $0x3  }
0x33: {  	p0 =	seq.s32 s10, $0x1;
	s10 =	sld [smem:$0x3FB7];
	_ =	sdelay $0x3  }
0x34: {  	[smem:$0x3FB7] =	sst s10  }
0x35: {  	s10 =	sld [smem:$0x3FB6];
	_ =	sdelay $0x3  }
0x36: {  	p1 =	seq.s32 s10, $0x1;
	s10 =	sld [smem:$0x3FB7];
	_ =	sdelay $0x3  }
0x37: {  	[smem:$0x3FB7] =	sst s10  }
0x38: {  	s10 =	sld [smem:$0x3FB8]  }
0x39: {  	_ = 	snop;
	(pc) =	sbr.ind lr, $3  }
0x3a: {  	_ = 	snop  }
0x3b: {  	_ = 	snop  }
0x3c: {  	p2 =	seq.s32 s10, $0x1;
	s10 =	sld [smem:$0x3FB7]  }
0x3d: {  	_ =	shalt  }
0x3e: {  	_ =	shalt  }
0x3f: {  	_ =	shalt  }
0x40: {  	_ =	shalt  }
0x41: {  	_ =	shalt  }
0x42: {  	_ =	shalt  }
0x43: {  	_ =	shalt  }
0x44: {  	_ =	shalt  }
0x45: {  	_ =	shalt  }
0x46: {  	_ =	shalt  }
0x47: {  	_ =	shalt  }
0x48: {  	_ =	shalt  }
0x49: {  	_ =	shalt  }
0x4a: {  	_ =	shalt  }
0x4b: {  	_ =	shalt  }
0x4c: {  	_ =	shalt  }
0x4d: {  	_ =	shalt  }
0x4e: {  	_ =	shalt  }
0x4f: {  	_ =	shalt  }
0x50: {  	_ =	shalt  }
0x51: {  	_ =	shalt  }
0x52: {  	_ =	shalt  }
0x53: {  	_ =	shalt  }
0x54: {  	_ =	shalt  }
0x55: {  	_ =	shalt  }
0x56: {  	_ =	shalt  }
0x57: {  	_ =	shalt  }
0x58: {  	_ =	shalt  }
0x59: {  	_ =	shalt  }
0x5a: {  	_ =	shalt  }
0x5b: {  	_ =	shalt  }
0x5c: {  	_ =	shalt  }
0x5d: {  	_ =	shalt  }
0x5e: {  	_ =	shalt  }
0x5f: {  	_ =	shalt  }
0x60: {  	_ =	shalt  }
0x61: {  	_ =	shalt  }
0x62: {  	_ =	shalt  }
0x63: {  	_ =	shalt  }
0x64: {  	_ =	shalt  }
0x65: {  	_ =	shalt  }
0x66: {  	_ =	shalt  }
0x67: {  	_ =	shalt  }
0x68: {  	_ =	shalt  }
0x69: {  	_ =	shalt  }
0x6a: {  	_ =	shalt  }
0x6b: {  	_ =	shalt  }
0x6c: {  	_ =	shalt  }
0x6d: {  	_ =	shalt  }
0x6e: {  	_ =	shalt  }
0x6f: {  	_ =	shalt  }
0x70: {  	_ =	shalt  }
0x71: {  	_ =	shalt  }
0x72: {  	_ =	shalt  }
0x73: {  	_ =	shalt  }
0x74: {  	_ =	shalt  }
0x75: {  	_ =	shalt  }
0x76: {  	_ =	shalt  }
0x77: {  	_ =	shalt  }
0x78: {  	_ =	shalt  }
0x79: {  	_ =	shalt  }
0x7a: {  	_ =	shalt  }
0x7b: {  	_ =	shalt  }
0x7c: {  	_ =	shalt  }
0x7d: {  	_ =	shalt  }
0x7e: {  	_ =	shalt  }
0x7f: {  	_ =	shalt  }
0x80: {  	_ =	shalt  }
0x81: {  	_ =	shalt  }
0x82: {  	_ =	shalt  }
0x83: {  	_ =	shalt  }
0x84: {  	_ =	shalt  }
0x85: {  	_ =	shalt  }
0x86: {  	_ =	shalt  }
0x87: {  	_ =	shalt  }
.Lfunc_end0:
.L_simem_size_0:
called_computation_lowered:
.L_overlay_start_0:
0x88: {  	s2 =	sld [smem:$0x3FD9]  }
0x89: {  	s3 =	sld [smem:$0x3FFE];
	_ =	sdelay $0x1  }
0x8a: {  	s1 =	srdreg.scid  }
0x8b: {  	s0 =	sand.u32 $0x1, s1  }
0x8c: {  	s14 =	sshll.u32 s0, $0xA;
	s2 =	sadd.s32 s3, s2  }
0x8d: {  	s2 =	sadd.s32 s2, s14  }
0x8e: {  	[smem:$0x3FC3] =	sst s2  }
0x8f: {  	_ = 	snop  }
0x90: {  	s2 =	sld [smem:$0x3FD0]  }
0x91: {  	s15 =	sld [smem:$0x3FC9]  }
0x92: {  	s4 =	sld [smem:$0x3FC8]  }
0x93: {  	s6 =	simm.s32 $0xA;
	s7 =	simm.s32 $0x10;
	s5 =	sld [smem:$0x3FC7]  }
0x94: {  	[smem:s7], [sflag:s6] =	dma.local [hbm:s2], $0x1  }
0x95: {  	_ =	swait.eq [sflag:s6], $0x1  }
0x96: {  	[sflag:s6] =	ssyncset.done $0x0  }
0x97: {  	s16 =	sld [smem:$0x10];
	[sflag:s6] =	ssyncadd.s32 $0xFFFFFFFF  }
0x98: {  	s17 =	sld [smem:$0x11];
	(tm) =	ssettm $0x1  }
0x99: {  	s18 =	sld [smem:$0x3FFB];
	_ =	sdelay $0x3  }
0x9a: {  	_ =	strace s18  }
0x9b: {  	s7 =	sld [smem:$0x3FFC];
	_ =	sdelay $0x3  }
0x9c: {  	_ =	strace s7  }
0x9d: {  	s7 =	sld [smem:$0x3FFD];
	_ =	sdelay $0x3  }
0x9e: {  	_ =	strace s7  }
0x9f: {  	_ =	strace $0x8FFFFFFF  }
0xa0: {  	s19 =	sld [smem:$0x3FDB];
	_ =	sdelay $0x1  }
0xa1: {  	s8 =	simm.s32 $_scs_section_size  }
0xa2: {  	s9 =	simm.s32 $_size__tile_overlayer_lowered;
	s10 =	simm.s32 $_tile_overlayer_lowered  }
0xa3: {  	s22 =	simm.s32 $0x1BFF;
	s21 =	sshll.u32 s10, $0x1;
	s7 =	sadd.s32 s8, s19  }
0xa4: {  	s11 =	simm.s32 $0x0;
	s20 =	sshll.u32 s9, $0x1;
	s9 =	sadd.s32 s21, s7  }
0xa5: {  	[timem:s11], [sflag:s22] =	dma.local [hbm:s9], s20  }
0xa6: {  	_ =	swait.ge [sflag:s22], s20  }
0xa7: {  	s8 =	ssub.s32 $0x0, s20;
	[sflag:s22] =	ssyncset.done $0x0  }
0xa8: {  	[sflag:s22] =	ssyncadd.s32 s8;
	_ =	sdelay $0x1  }
0xa9: {  	s23 =	simm.s32 $0x1B8B  }
0xaa: {  	_ =	swait.ge [sflag:s23], $0x1  }
0xab: {  	[sflag:s23] =	ssyncset.done $0x0  }
0xac: {  	s25 =	simm.s32 $0x1B8E;
	s24 =	sld [smem:$0x3FFE];
	[sflag:s23] =	ssyncadd.s32 $0xFFFFFFFF  }
0xad: {  	s26 =	simm.s32 $execute0_lowered;
	[smem:$0x3FD2] =	sst s25  }
0xae: {  	s9 =	sshll.u32 s26, $0x1;
	_ =	strace $0x80000046;
	[dreg:$0x1] =	wrdreg $0xFFFFFFFF  }
0xaf: {  	s28 =	simm.s32 $_size_execute0_lowered;
	s7 =	sadd.s32 s7, s9;
	[dreg:$0x0] =	wrdreg $0x0  }
0xb0: {  	s9 =	sshll.u32 s28, $0x1;
	[dreg:$0x2] =	wrdreg s7  }
0xb1: {  	[dreg:$0x3] =	wrdreg s9  }
0xb2: {  	[dreg:$0x4] =	wrdreg $0xC0  }
0xb3: {  	_ =	task [dreg:s11], $0x5FFFF  }
0xb4: {  	[dreg:$0x1] =	wrdreg $0xFFFFFFFF  }
0xb5: {  	[dreg:$0x0] =	wrdreg $0x60  }
0xb6: {  	[dreg:$0x2] =	wrdreg s15  }
0xb7: {  	[dreg:$0x3] =	wrdreg s4  }
0xb8: {  	[dreg:$0x4] =	wrdreg s5  }
0xb9: {  	[dreg:$0x5] =	wrdreg s24  }
0xba: {  	[dreg:$0x6] =	wrdreg s16  }
0xbb: {  	[dreg:$0x7] =	wrdreg s17  }
0xbc: {  	[dreg:$0x8] =	wrdreg $0x9  }
0xbd: {  	_ =	task.clear_ibuf [dreg:s11], $0x9FFFF;
	_ =	strace $0x90000046  }
0xbe: {  	s29 =	simm.s32 $0x9;
	_ =	strace $0x80000048  }
0xbf: {  	_ =	swait.ge [sflag:s29], $0x1  }
0xc0: {  	[sflag:s29] =	ssyncadd.s32 $0xFFFFFFFF  }
0xc1: {  	_ =	strace $0x90000048  }
0xc2: {  	_ =	sfence  }
0xc3: {  	s30 =	sld [smem:$0x0];
	_ =	sdelay $0x2  }
0xc4: {  	s31 =	sshll.u32 s1, $0xD;
	s1 =	sshrl.u32 s1, $0x2  }
0xc5: {  	s3 =	sand.u32 $0x4000, s31;
	s1 =	sadd.s32 s1, s30  }
0xc6: {  	s0 =	sor.u32 s3, s0;
	s1 =	sshll.u32 s1, $0x11  }
0xc7: {  	s0 =	sor.u32 s1, s0  }
0xc8: {  	s0 =	sadd.s32 $0x8F2B, s0  }
0xc9: {  	[sflag:s0] =	ssyncadd.remote.s32 $0x1  }
0xca: {  	_ =	sfence.sel $0xFFFF  }
0xcb: {  	[dreg:$0x0] =	wrdreg $0xFFFFFFFF;
	(pc) =	sbr.abs _section_cstart, $3  }
0xcc: {  	[dreg:$0x1] =	wrdreg $0xFFFFFFFF  }
0xcd: {  	_ =	task.clear_ibuf [dreg:s11], $0x2FFFF;
	_ =	strace $0x9FFFFFFF  }
0xce: {  	(tm) =	ssettm $0x7FFFFFFF  }
0xcf: {  	_ =	shalt  }
tec
execute0_lowered:
.L_overlay_start_1:
0x0: {  	(tag) =	ssettag $0x1  }
0x1: {  	s5 =	rddreg [dreg:$0x0]  }
0x2: {  	s6 =	rddreg [dreg:$0x1]  }
0x3: {  	s7 =	rddreg [dreg:$0x2]  }
0x4: {  	s4 =	rddreg [dreg:$0x3]  }
0x5: {  	s8 =	rddreg [dreg:$0x4]  }
0x6: {  	s9 =	rddreg [dreg:$0x5]  }
0x7: {  	s0 =	rddreg [dreg:$0x6];
	s1 =	simm.s32 $0x0;
	s2 =	srdreg.scid  }
0x8: {  	s14 =	simm.s32 $0x600;
	s15 =	simm.s32 $0x4600;
	s16 =	simm.s32 $0x8600  }
0x9: {  	s17 =	simm.s32 $0x1;
	s18 =	simm.s32 $0x2;
	s19 =	simm.s32 $0x3  }
0xa: {  	s20 =	simm.s32 $0xC600;
	s21 =	simm.s32 $0xC800;
	s22 =	simm.s32 $0x0  }
0xb: {  	[smem:$0x7FF] =	sst s1;
	s10 =	sand.u32 $0x1, s2;
	s3 =	sadd.s32 $0xF42C00, s4  }
0xc: {  	s2 =	stileid.u32;
	s4 =	sadd.s32 $0x1313600, s4;
	_ =	strace $0x80000047  }
0xd: {  	vm0 =	vmmov $0x1;
	vm1 =	vmmov $0x3;
	vm2 =	vmmov $0x7;
	s11 =	ssub.s32 $0x2, s10;
	s13 =	sshll.u32 s2, $0x7;
	s10 =	sshll.u32 s10, $0x6  }
0xe: {  	vm3 =	vmmov $0xf;
	vm4 =	vmmov $0x1f;
	vm5 =	vmmov $0x3f;
	s12 =	sshrl.u32 s11, $0x1;
	s10 =	sor.u32 s10, s13;
	s13 =	simm.s32 $0x400  }
0xf: {  	vm6 =	vmmov $0x7f;
	vm7 =	vmmov $0xff;
	vm8 =	vmmov $0x1ff;
	s11 =	ssub.s32 s11, s12;
	s5 =	sadd.s32 s5, s10;
	s6 =	sadd.s32 s6, s10  }
0x10: {  	vm9 =	vmmov $0x3ff;
	vm10 =	vmmov $0x7ff;
	vm11 =	vmmov $0xfff;
	s7 =	sadd.s32 s7, s10;
	s8 =	sadd.s32 s8, s10;
	s9 =	sadd.s32 s9, s10  }
0x11: {  	vm12 =	vmmov $0x1fff;
	vm13 =	vmmov $0x3fff;
	vm14 =	vmmov $0x7fff;
	s12 =	simm.s32 $0x200;
	s10 =	smax.u32 s11, $0x1;
	s11 =	simm.s32 $0x4  }
.LBB2_1:
0x12: {  	[tilespmem:s1], [sflag:$0x4] =	stream.linear.gather [hbm4b:s5+s1], $0x200, $0x38;
	[tilespmem:$0xCA00] =	vst v63  }
0x13: {  	_ =	swait.ge [sflag:s11], $0x200  }
0x14: {  	[sflag:s11] =	ssyncset.done $0x0  }
0x15: {  	[sflag:s11] =	ssyncadd.s32 $0xFFFFFE00  }
0x16: {  	[tilespmem:s12], [sflag:$0x4] =	stream.linear.gather [hbm4b:s6+s1], $0x200, $0x38;
	[tilespmem:$0xCA00] =	vst v63  }
0x17: {  	_ =	swait.ge [sflag:s11], $0x200  }
0x18: {  	[sflag:s11] =	ssyncset.done $0x0  }
0x19: {  	[sflag:s11] =	ssyncadd.s32 $0xFFFFFE00  }
0x1a: {  	[tilespmem:s13], [sflag:$0x4] =	stream.linear.gather [hbm4b:s7+s1], $0x200, $0x38;
	[tilespmem:$0xCA00] =	vst v63  }
0x1b: {  	_ =	swait.ge [sflag:s11], $0x200  }
0x1c: {  	[sflag:s11] =	ssyncset.done $0x0  }
0x1d: {  	[sflag:s11] =	ssyncadd.s32 $0xFFFFFE00  }
0x1e: {  	[tilespmem:s14], [sflag:$0x1] =	stream.indirect.gather [hbm4b:s3+s12], $0x20, s1, s12, $0xb8;
	[tilespmem:$0xCA00] =	vst v63  }
0x1f: {  	_ = 	snop  }
0x20: {  	[tilespmem:s15], [sflag:$0x2] =	stream.indirect.gather [hbm4b:s4+s12], $0x20, s12, s12, $0xb8;
	[tilespmem:$0xCA00] =	vst v63  }
0x21: {  	_ = 	snop  }
0x22: {  	[tilespmem:s16], [sflag:$0x3] =	stream.indirect.gather [hbm4b:s4+s12], $0x20, s13, s12, $0xb8;
	[tilespmem:$0xCA00] =	vst v63  }
0x23: {  	_ =	swait.ge [sflag:s17], $0x4000  }
0x24: {  	[sflag:s17] =	ssyncset.done $0x0  }
0x25: {  	[sflag:s17] =	ssyncadd.s32 $0xFFFFC000  }
0x26: {  	_ =	swait.ge [sflag:s18], $0x4000  }
0x27: {  	[sflag:s18] =	ssyncset.done $0x0  }
0x28: {  	[sflag:s18] =	ssyncadd.s32 $0xFFFFC000  }
0x29: {  	_ =	swait.ge [sflag:s19], $0x4000  }
0x2a: {  	[sflag:s19] =	ssyncset.done $0x0  }
0x2b: {  	s23 =	simm.s32 $0x0;
	[sflag:s19] =	ssyncadd.s32 $0xFFFFC000  }
0x2c: {  	v6 =	vld [tilespmem:s23+$0x47E0]  }
0x2d: {  	v9 =	vld [tilespmem:s23+$0x47F0]  }
0x2e: {  	v12 =	vld [tilespmem:s23+$0x87C0]  }
0x2f: {  	v13 =	vld [tilespmem:s23+$0x87D0]  }
0x30: {  	v14 =	vld [tilespmem:s23+$0x47C0]  }
0x31: {  	v15 =	vld [tilespmem:s23+$0x47D0]  }
0x32: {  	v16 =	vld [tilespmem:s23+$0x47A0]  }
0x33: {  	v2 =	vld [tilespmem:s23+$0x7E0]  }
0x34: {  	v3 =	vld [tilespmem:s23+$0x7F0]  }
0x35: {  	v17 =	vld [tilespmem:s23+$0x47B0]  }
0x36: {  	v18 =	vld [tilespmem:s23+$0x7C0]  }
0x37: {  	v19 =	vld [tilespmem:s23+$0x7D0]  }
0x38: {  	v20 =	vld [tilespmem:s23+$0x8780]  }
0x39: {  	v21 =	vld [tilespmem:s23+$0x8790]  }
0x3a: {  	v22 =	vld [tilespmem:s23+$0x4780]  }
0x3b: {  	v23 =	vld [tilespmem:s23+$0x4790]  }
0x3c: {  	v1 =	vld [tilespmem:s23+$0x7A0]  }
0x3d: {  	v0 =	vld [tilespmem:s23+$0x7B0]  }
0x3e: {  	v24 =	vld [tilespmem:s23+$0x8760]  }
0x3f: {  	v25 =	vld [tilespmem:s23+$0x780]  }
0x40: {  	v26 =	vld [tilespmem:s23+$0x790]  }
0x41: {  	v27 =	vld [tilespmem:s23+$0x8770]  }
0x42: {  	v28 =	vld [tilespmem:s23+$0x4760]  }
0x43: {  	v29 =	vld [tilespmem:s23+$0x4770]  }
0x44: {  	v30 =	vld [tilespmem:s23+$0x4740]  }
0x45: {  	v31 =	vld [tilespmem:s23+$0x760]  }
0x46: {  	v32 =	vld [tilespmem:s23+$0x770]  }
0x47: {  	v33 =	vld [tilespmem:s23+$0x4750]  }
0x48: {  	v34 =	vld [tilespmem:s23+$0x8720]  }
0x49: {  	v35 =	vld [tilespmem:s23+$0x8730]  }
0x4a: {  	v36 =	vld [tilespmem:s23+$0x4720]  }
0x4b: {  	v4 =	vld [tilespmem:s23+$0x740]  }
0x4c: {  	v5 =	vld [tilespmem:s23+$0x750]  }
0x4d: {  	v37 =	vld [tilespmem:s23+$0x4730]  }
0x4e: {  	v38 =	vld [tilespmem:s23+$0x720]  }
0x4f: {  	v39 =	vld [tilespmem:s23+$0x730]  }
0x50: {  	v40 =	vld [tilespmem:s23+$0x8700]  }
0x51: {  	v41 =	vld [tilespmem:s23+$0x8710]  }
0x52: {  	v42 =	vld [tilespmem:s23+$0x4700]  }
0x53: {  	v43 =	vld [tilespmem:s23+$0x4710]  }
0x54: {  	v44 =	vld [tilespmem:s23+$0x700]  }
0x55: {  	v45 =	vld [tilespmem:s23+$0x710]  }
0x56: {  	v46 =	vld [tilespmem:s23+$0x46E0]  }
0x57: {  	v47 =	vld [tilespmem:s23+$0x46F0]  }
0x58: {  	v48 =	vld [tilespmem:s23+$0x86C0]  }
0x59: {  	v49 =	vld [tilespmem:s23+$0x46C0]  }
0x5a: {  	v8 =	vld [tilespmem:s23+$0x6E0]  }
0x5b: {  	v10 =	vld [tilespmem:s23+$0x6F0]  }
0x5c: {  	v50 =	vld [tilespmem:s23+$0x46D0]  }
0x5d: {  	v51 =	vld [tilespmem:s23+$0x6C0]  }
0x5e: {  	v52 =	vld [tilespmem:s23+$0x6D0]  }
0x5f: {  	v53 =	vld [tilespmem:s23+$0x86D0]  }
0x60: {  	v62 =	vld [tilespmem:s23+$0x86A0]  }
0x61: {  	v55 =	vld [tilespmem:s23+$0x46A0]  }
0x62: {  	v56 =	vld [tilespmem:s23+$0x46B0]  }
0x63: {  	v57 =	vld [tilespmem:s23+$0x6A0]  }
0x64: {  	v58 =	vld [tilespmem:s23+$0x6B0]  }
0x65: {  	v59 =	vld [tilespmem:s23+$0x86B0]  }
0x66: {  	v60 =	vld [tilespmem:s23+$0x4680]  }
0x67: {  	v7 =	vld [tilespmem:s23+$0x4660]  }
0x68: {  	v61 =	vld [tilespmem:s23+$0x4690]  }
0x69: {  	v54 =	vld [tilespmem:s23+$0x680]  }
0x6a: {  	v11 =	vld [tilespmem:s23+$0x690]  }
0x6b: {  	v63 =	vld [tilespmem:s23+$0x4670]  }
0x6c: {  	[tilespmem:$0x1FF90] =	vst v7;
	v7 =	vld [tilespmem:s23+$0x660]  }
0x6d: {  	[tilespmem:$0x1FFA0] =	vst v2;
	v6 =	vmul.f32 v6, v2;
	v9 =	vmul.f32 v9, v3;
	v2 =	vld [tilespmem:s23+$0x670]  }
0x6e: {  	[tilespmem:$0x1FFB0] =	vst v3;
	v14 =	vmul.f32 v14, v18;
	v15 =	vmul.f32 v15, v19;
	v3 =	vld [tilespmem:s23+$0x8660]  }
0x6f: {  	v6 =	vadd.f32 v9, v6;
	v9 =	vmul.f32 v12, v18;
	v12 =	vmul.f32 v13, v19;
	v13 =	vld [tilespmem:s23+$0x8670]  }
0x70: {  	v14 =	vadd.f32 v15, v14;
	v15 =	vmul.f32 v16, v1;
	v16 =	vmul.f32 v17, v0;
	v17 =	vld [tilespmem:s23+$0x4640]  }
0x71: {  	v18 =	vld [tilespmem:s23+$0x4650]  }
0x72: {  	[tilespmem:$0x1FFD0] =	vst v0;
	v19 =	vld [tilespmem:s23+$0x640];
	(xrf2) =	vadd.scan.msk.f32 $0xffff, v6;
	v6 =	vadd.f32 v12, v9;
	v9 =	vmul.f32 v22, v25  }
0x73: {  	v0 =	vld [tilespmem:$0x1FF90];
	v12 =	vmul.f32 v23, v26;
	(xrf2) =	vadd.scan.msk.f32 $0xffff, v14;
	v14 =	vadd.f32 v16, v15;
	v15 =	vmul.f32 v20, v25  }
0x74: {  	[tilespmem:$0x1FFC0] =	vst v1;
	v22 =	vld [tilespmem:s23+$0x8650];
	v16 =	vmul.f32 v21, v26;
	v1 =	vmul.f32 v3, v7  }
0x75: {  	v23 =	vld [tilespmem:s23+$0x4600];
	(xrf2) =	vadd.scan.msk.f32 $0xffff, v6;
	v6 =	vadd.f32 v12, v9;
	v9 =	vmul.f32 v28, v31;
	v12 =	vmul.f32 v29, v32  }
0x76: {  	v20 =	vld [tilespmem:s23+$0x650];
	(xrf2) =	vadd.scan.msk.f32 $0xffff, v14;
	v14 =	vadd.f32 v16, v15;
	v15 =	vmul.f32 v24, v31;
	v16 =	vmul.f32 v27, v32  }
0x77: {  	v21 =	vld [tilespmem:s23+$0x8640];
	(xrf2) =	vadd.scan.msk.f32 $0xffff, v6;
	v6 =	vadd.f32 v12, v9;
	v9 =	vmul.f32 v30, v4;
	v12 =	vmul.f32 v33, v5  }
0x78: {  	v25 =	vld [tilespmem:s23+$0x600];
	(xrf2) =	vadd.scan.msk.f32 $0xffff, v14;
	v14 =	vadd.f32 v16, v15;
	v15 =	vmul.f32 v36, v38;
	v16 =	vmul.f32 v37, v39  }
0x79: {  	v3 =	vld [tilespmem:$0x1FFA0];
	(xrf2) =	vadd.scan.msk.f32 $0xffff, v6;
	v6 =	vadd.f32 v12, v9;
	v9 =	vmul.f32 v34, v38;
	v12 =	vmul.f32 v35, v39  }
0x7a: {  	v28 =	vld [tilespmem:s23+$0x8600];
	(xrf2) =	vadd.scan.msk.f32 $0xffff, v14;
	v14 =	vadd.f32 v16, v15;
	v15 =	vmul.f32 v42, v44;
	v16 =	vmul.f32 v43, v45  }
0x7b: {  	v26 =	vmul.f32 v41, v45;
	v24 =	vld [tilespmem:s23+$0x4610];
	(xrf2) =	vadd.scan.msk.f32 $0xffff, v6;
	v9 =	vadd.f32 v12, v9;
	v12 =	vmul.f32 v40, v44  }
0x7c: {  	v27 =	vld [tilespmem:s23+$0x610];
	(xrf2) =	vadd.scan.msk.f32 $0xffff, v14;
	v14 =	vadd.f32 v16, v15;
	v15 =	vmul.f32 v46, v8;
	v16 =	vmul.f32 v47, v10  }
0x7d: {  	v29 =	vmul.f32 v50, v52;
	v30 =	vld [tilespmem:s23+$0x8610];
	v6, _, _ =	vpop (xrf2);
	(xrf2) =	vadd.scan.msk.f32 $0xffff, v9;
	v12 =	vadd.f32 v26, v12;
	v26 =	vmul.f32 v49, v51  }
0x7e: {  	[tilespmem:$0x1FFE0] =	vst v4;
	v4 =	vld [tilespmem:$0x1FFD0];
	v31, _, _ =	vpop (xrf2);
	(xrf2) =	vadd.scan.msk.f32 $0xffff, v14;
	v14 =	vadd.f32 v16, v15  }
0x7f: {  	v46 =	vld [tilespmem:s23+$0x4620];
	v15 =	vmul.f32 v48, v51;
	v16 =	vmul.f32 v53, v52;
	v9, _, _ =	vpop (xrf2);
	(xrf2) =	vadd.scan.msk.f32 $0xffff, v12;
	v12 =	vadd.f32 v29, v26  }
0x80: {  	v47 =	vld [tilespmem:s23+$0x4630];
	v26 =	vmul.f32 v55, v57;
	v29 =	vmul.f32 v56, v58  }
0x81: {  	v49 =	vld [tilespmem:s23+$0x620];
	v48, _, _ =	vpop (xrf2);
	(xrf2) =	vadd.scan.msk.f32 $0xffff, v14;
	v14 =	vadd.f32 v16, v15;
	v15 =	vmul.f32 v62, v57;
	v16 =	vmul.f32 v59, v58  }
0x82: {  	v51 =	vmul.f32 v61, v11;
	v52 =	vld [tilespmem:s23+$0x630];
	v50, _, _ =	vpop (xrf2);
	(xrf2) =	vadd.scan.msk.f32 $0xffff, v12;
	v26 =	vadd.f32 v29, v26;
	v29 =	vmul.f32 v60, v54  }
0x83: {  	v53 =	vld [tilespmem:s23+$0x87E0];
	v12, _, _ =	vpop (xrf2);
	(xrf2) =	vadd.scan.msk.f32 $0xffff, v14;
	v14 =	vadd.f32 v16, v15;
	v15 =	vmul.f32 v0, v7;
	v16 =	vmul.f32 v63, v2  }
0x84: {  	v0 =	vmul.f32 v13, v2;
	v2 =	vld [tilespmem:s23+$0x8620];
	v55, _, _ =	vpop (xrf2);
	(xrf2) =	vadd.scan.msk.f32 $0xffff, v26;
	v26 =	vadd.f32 v51, v29  }
0x85: {  	v13, _, _ =	vpop (xrf2);
	(xrf2) =	vadd.scan.msk.f32 $0xffff, v14;
	v14 =	vadd.f32 v16, v15;
	v15 =	vmul.f32 v17, v19;
	v16 =	vmul.f32 v18, v20;
	v17 =	vld [tilespmem:s23+$0x8630]  }
0x86: {  	v0 =	vadd.f32 v0, v1;
	v1 =	vmul.f32 v21, v19;
	v19 =	vmul.f32 v22, v20;
	v20 =	vld [tilespmem:s23+$0x87F0];
	v18, _, _ =	vpop (xrf2);
	(xrf2) =	vadd.scan.msk.f32 $0xffff, v26  }
0x87: {  	v22 =	vld [tilespmem:s23+$0x8680];
	v21, _, _ =	vpop (xrf2);
	(xrf2) =	vadd.scan.msk.f32 $0xffff, v14;
	v14 =	vadd.f32 v16, v15;
	v15 =	vmul.f32 v23, v25;
	v16 =	vmul.f32 v24, v27  }
0x88: {  	v26 =	vld [tilespmem:s23+$0x87A0];
	v23, _, _ =	vpop (xrf2);
	(xrf2) =	vadd.scan.msk.f32 $0xffff, v0;
	v0 =	vadd.f32 v19, v1;
	v19 =	vmul.f32 v30, v27  }
0x89: {  	v24 =	vld [tilespmem:s23+$0x8690];
	v1 =	vmul.f32 v28, v25;
	v25, _, _ =	vpop (xrf2);
	(xrf2) =	vadd.scan.msk.f32 $0xffff, v14;
	v14 =	vadd.f32 v16, v15;
	v16 =	vmul.f32 v47, v52  }
0x8a: {  	v28 =	vmul.f32 v53, v3;
	v3 =	vld [tilespmem:$0x1FFB0];
	v15 =	vmul.f32 v46, v49  }
0x8b: {  	v27, _, _ =	vpop (xrf2);
	(xrf2) =	vadd.scan.msk.f32 $0xffff, v0;
	v0 =	vadd.f32 v19, v1;
	v1 =	vmul.f32 v2, v49;
	v2 =	vmul.f32 v17, v52;
	v17 =	vld [tilespmem:s23+$0x86E0]  }
0x8c: {  	v19, _, _ =	vpop (xrf2);
	(xrf2) =	vadd.scan.msk.f32 $0xffff, v14;
	v14 =	vadd.f32 v16, v15;
	v15 =	vld [tilespmem:s23+$0x86F0]  }
0x8d: {  	v16, _, _ =	vpop (xrf2);
	(xrf2) =	vadd.scan.msk.f32 $0xffff, v0;
	v0 =	vadd.f32 v2, v1;
	v1 =	vld [tilespmem:s23+$0x87B0]  }
0x8e: {  	v11 =	vmul.f32 v24, v11;
	v24 =	vld [tilespmem:s23+$0x8750]  }
0x8f: {  	v20 =	vmul.f32 v20, v3;
	v3 =	vld [tilespmem:$0x1FFC0]  }
0x90: {  	[tilespmem:$0x1FFF0] =	vst v5;
	v5 =	vmov v10;
	v10 =	vmul.f32 v22, v54;
	v2, _, _ =	vpop (xrf2);
	(xrf2) =	vadd.scan.msk.f32 $0xffff, v14;
	v14 =	vld [tilespmem:s23+$0x8740]  }
0x91: {  	v7 =	vmul.f32 v17, v8;
	v8 =	vmul.f32 v15, v5;
	v5 =	vld [tilespmem:$0x1FFF0]  }
0x92: {  	v10 =	vadd.f32 v11, v10;
	v22, _, _ =	vpop (xrf2);
	(xrf2) =	vadd.scan.msk.f32 $0xffff, v0;
	v1 =	vmul.f32 v1, v4;
	v4 =	vld [tilespmem:$0x1FFE0]  }
0x93: {  	v0, _, _ =	vpop (xrf2)  }
0x94: {  	v3 =	vmul.f32 v26, v3;
	v26, _, _ =	vpop (xrf2)  }
0x95: {  	v15, _, _ =	vpop (xrf2);
	v7 =	vadd.f32 v8, v7  }
0x96: {  	(xrf2) =	vadd.scan.msk.f32 $0xffff, v10;
	v10, _, _ =	vpop (xrf2);
	v5 =	vmul.f32 v24, v5  }
0x97: {  	v30, _, _ =	vpop (xrf2);
	v4 =	vmul.f32 v14, v4  }
0x98: {  	v14, _, _ =	vpop (xrf2)  }
0x99: {  	v29 =	vbroadcast v50, $0xF;
	v18 =	vbroadcast v18, $0xF;
	(xrf2) =	vadd.scan.msk.f32 $0xffff, v7;
	v7, _, _ =	vpop (xrf2);
	v4 =	vadd.f32 v5, v4  }
0x9a: {  	v21 =	vbroadcast v21, $0xF;
	v16 =	vbroadcast v16, $0xF;
	v5, _, _ =	vpop (xrf2)  }
0x9b: {  	v24 =	vbroadcast v25, $0xF;
	v25, _, _ =	vpop (xrf2);
	(xrf2) =	vadd.scan.msk.f32 $0xffff, v4;
	v4 =	vbroadcast v7, $0xF  }
0x9c: {  	v1 =	vadd.f32 v1, v3;
	v5 =	vbroadcast v5, $0xF;
	v7 =	vbroadcast v25, $0xF;
	v3, _, _ =	vpop (xrf2)  }
0x9d: {  	v30 =	vbroadcast v30, $0xF;
	v3 =	vbroadcast v3, $0xF  }
0x9e: {  	v4 =	vsel vm0, v4, v7;
	v7 =	vbroadcast v14, $0xF;
	v14 =	vbroadcast v15, $0xF  }
0x9f: {  	(xrf2) =	vadd.scan.msk.f32 $0xffff, v1;
	v1 =	vsel vm0, v5, v3;
	v3 =	vsel vm1, v4, v30;
	v4 =	vbroadcast v10, $0xF  }
0xa0: {  	v20 =	vadd.f32 v20, v28;
	v22 =	vbroadcast v22, $0xF;
	v26 =	vbroadcast v26, $0xF;
	v5, _, _ =	vpop (xrf2)  }
0xa1: {  	v1 =	vsel vm1, v1, v7;
	v3 =	vsel vm2, v3, v14;
	v5 =	vbroadcast v5, $0xF  }
0xa2: {  	v0 =	vbroadcast v0, $0xF;
	v1 =	vsel vm2, v1, v4;
	v3 =	vsel vm3, v3, v26  }
0xa3: {  	v2 =	vbroadcast v2, $0xF;
	v1 =	vsel vm3, v1, v5;
	v3 =	vsel vm4, v3, v22;
	v4, _, _ =	vpop (xrf2)  }
0xa4: {  	v0 =	vsel vm4, v1, v0;
	v1 =	vsel vm5, v3, v16;
	v3 =	vbroadcast v4, $0xF  }
0xa5: {  	v19 =	vbroadcast v19, $0xF;
	(xrf2) =	vadd.scan.msk.f32 $0xffff, v20;
	v0 =	vsel vm5, v0, v2;
	v2 =	vbroadcast v27, $0xF  }
0xa6: {  	v8 =	vbroadcast v55, $0xF;
	v4, _, _ =	vpop (xrf2);
	v0 =	vsel vm6, v0, v3;
	v3 =	vbroadcast v23, $0xF  }
0xa7: {  	v1 =	vsel vm6, v1, v19;
	v0 =	vsel vm7, v0, v2;
	v2 =	vbroadcast v4, $0xF  }
0xa8: {  	v1 =	vsel vm7, v1, v24;
	v0 =	vsel vm8, v0, v3;
	v3 =	vbroadcast v13, $0xF  }
0xa9: {  	v1 =	vsel vm8, v1, v21;
	v0 =	vsel vm9, v0, v2;
	v2 =	vbroadcast v12, $0xF  }
0xaa: {  	v17 =	vbroadcast v48, $0xF;
	v1 =	vsel vm9, v1, v18;
	v0 =	vsel vm10, v0, v3  }
0xab: {  	v4, _, _ =	vpop (xrf2);
	v1 =	vsel vm10, v1, v8;
	v0 =	vsel vm11, v0, v2;
	v2 =	vbroadcast v9, $0xF  }
0xac: {  	v11 =	vbroadcast v31, $0xF;
	v1 =	vsel vm11, v1, v29;
	v3 =	vbroadcast v4, $0xF  }
0xad: {  	v1 =	vsel vm12, v1, v17  }
0xae: {  	v1 =	vsel vm13, v1, v11;
	v0 =	vsel vm12, v0, v3  }
0xaf: {  	v1 =	vsel vm14, v1, v6;
	v0 =	vsel vm13, v0, v2;
	v2, _, _ =	vpop (xrf2)  }
0xb0: {  	[tilespmem:s20+$0x0] =	vst v1;
	v0 =	vsel vm14, v0, v2  }
0xb1: {  	s25 =	simm.s32 $0x200;
	[tilespmem:s21+$0x0] =	vst v0  }
0xb2: {  	v0 =	vld [tilespmem:s25+$0x47E0]  }
0xb3: {  	v3 =	vld [tilespmem:s25+$0x47F0]  }
0xb4: {  	v8 =	vld [tilespmem:s25+$0x87C0]  }
0xb5: {  	v9 =	vld [tilespmem:s25+$0x87D0]  }
0xb6: {  	v12 =	vld [tilespmem:s25+$0x47C0]  }
0xb7: {  	v13 =	vld [tilespmem:s25+$0x47D0]  }
0xb8: {  	v14 =	vld [tilespmem:s25+$0x47A0]  }
0xb9: {  	v1 =	vld [tilespmem:s25+$0x7E0]  }
0xba: {  	v2 =	vld [tilespmem:s25+$0x7F0]  }
0xbb: {  	v15 =	vld [tilespmem:s25+$0x47B0]  }
0xbc: {  	v16 =	vld [tilespmem:s25+$0x7C0]  }
0xbd: {  	v17 =	vld [tilespmem:s25+$0x7D0]  }
0xbe: {  	v18 =	vld [tilespmem:s25+$0x8780]  }
0xbf: {  	v19 =	vld [tilespmem:s25+$0x8790]  }
0xc0: {  	v20 =	vld [tilespmem:s25+$0x4780]  }
0xc1: {  	v21 =	vld [tilespmem:s25+$0x4790]  }
0xc2: {  	v5 =	vld [tilespmem:s25+$0x7A0]  }
0xc3: {  	v4 =	vld [tilespmem:s25+$0x7B0]  }
0xc4: {  	v22 =	vld [tilespmem:s25+$0x8760]  }
0xc5: {  	v23 =	vld [tilespmem:s25+$0x780]  }
0xc6: {  	v24 =	vld [tilespmem:s25+$0x790]  }
0xc7: {  	v25 =	vld [tilespmem:s25+$0x8770]  }
0xc8: {  	v26 =	vld [tilespmem:s25+$0x4760]  }
0xc9: {  	v27 =	vld [tilespmem:s25+$0x4770]  }
0xca: {  	v28 =	vld [tilespmem:s25+$0x4740]  }
0xcb: {  	v29 =	vld [tilespmem:s25+$0x760]  }
0xcc: {  	v30 =	vld [tilespmem:s25+$0x770]  }
0xcd: {  	v31 =	vld [tilespmem:s25+$0x4750]  }
0xce: {  	v32 =	vld [tilespmem:s25+$0x8720]  }
0xcf: {  	v33 =	vld [tilespmem:s25+$0x8730]  }
0xd0: {  	v34 =	vld [tilespmem:s25+$0x4720]  }
0xd1: {  	v6 =	vld [tilespmem:s25+$0x740]  }
0xd2: {  	v7 =	vld [tilespmem:s25+$0x750]  }
0xd3: {  	v35 =	vld [tilespmem:s25+$0x4730]  }
0xd4: {  	v36 =	vld [tilespmem:s25+$0x720]  }
0xd5: {  	v37 =	vld [tilespmem:s25+$0x730]  }
0xd6: {  	v38 =	vld [tilespmem:s25+$0x8700]  }
0xd7: {  	v39 =	vld [tilespmem:s25+$0x8710]  }
0xd8: {  	v40 =	vld [tilespmem:s25+$0x4700]  }
0xd9: {  	v41 =	vld [tilespmem:s25+$0x4710]  }
0xda: {  	v42 =	vld [tilespmem:s25+$0x700]  }
0xdb: {  	v43 =	vld [tilespmem:s25+$0x710]  }
0xdc: {  	v44 =	vld [tilespmem:s25+$0x46E0]  }
0xdd: {  	v45 =	vld [tilespmem:s25+$0x46F0]  }
0xde: {  	v56 =	vld [tilespmem:s25+$0x86C0]  }
0xdf: {  	v57 =	vld [tilespmem:s25+$0x46C0]  }
0xe0: {  	v10 =	vld [tilespmem:s25+$0x6E0]  }
0xe1: {  	v11 =	vld [tilespmem:s25+$0x6F0]  }
0xe2: {  	v58 =	vld [tilespmem:s25+$0x46D0]  }
0xe3: {  	v59 =	vld [tilespmem:s25+$0x6C0]  }
0xe4: {  	v60 =	vld [tilespmem:s25+$0x6D0];
	v0 =	vmul.f32 v0, v1;
	v3 =	vmul.f32 v3, v2  }
0xe5: {  	v61 =	vld [tilespmem:s25+$0x86D0];
	v12 =	vmul.f32 v12, v16;
	v13 =	vmul.f32 v13, v17  }
0xe6: {  	v62 =	vld [tilespmem:s25+$0x86A0];
	v0 =	vadd.f32 v3, v0;
	v3 =	vmul.f32 v8, v16;
	v8 =	vmul.f32 v9, v17  }
0xe7: {  	v63 =	vld [tilespmem:s25+$0x46A0];
	v12 =	vadd.f32 v13, v12;
	v13 =	vmul.f32 v14, v5;
	v14 =	vmul.f32 v15, v4  }
0xe8: {  	v9 =	vld [tilespmem:s25+$0x46B0];
	(xrf2) =	vadd.scan.msk.f32 $0xffff, v0;
	v0 =	vadd.f32 v8, v3;
	v3 =	vmul.f32 v20, v23;
	v8 =	vmul.f32 v21, v24  }
0xe9: {  	v15 =	vld [tilespmem:s25+$0x6A0];
	(xrf2) =	vadd.scan.msk.f32 $0xffff, v12;
	v12 =	vadd.f32 v14, v13;
	v13 =	vmul.f32 v18, v23;
	v14 =	vmul.f32 v19, v24  }
0xea: {  	v16 =	vld [tilespmem:s25+$0x6B0];
	(xrf2) =	vadd.scan.msk.f32 $0xffff, v0;
	v0 =	vadd.f32 v8, v3;
	v3 =	vmul.f32 v26, v29;
	v8 =	vmul.f32 v27, v30  }
0xeb: {  	v17 =	vld [tilespmem:s25+$0x86B0];
	(xrf2) =	vadd.scan.msk.f32 $0xffff, v12;
	v12 =	vadd.f32 v14, v13;
	v13 =	vmul.f32 v22, v29;
	v14 =	vmul.f32 v25, v30  }
0xec: {  	v20 =	vld [tilespmem:s25+$0x4660];
	(xrf2) =	vadd.scan.msk.f32 $0xffff, v0;
	v0 =	vadd.f32 v8, v3;
	v3 =	vmul.f32 v28, v6;
	v8 =	vmul.f32 v31, v7  }
0xed: {  	v21 =	vld [tilespmem:s25+$0x680];
	(xrf2) =	vadd.scan.msk.f32 $0xffff, v12;
	v12 =	vadd.f32 v14, v13;
	v13 =	vmul.f32 v34, v36;
	v14 =	vmul.f32 v35, v37  }
0xee: {  	v18 =	vld [tilespmem:s25+$0x4680];
	(xrf2) =	vadd.scan.msk.f32 $0xffff, v0;
	v0 =	vadd.f32 v8, v3;
	v3 =	vmul.f32 v32, v36;
	v8 =	vmul.f32 v33, v37  }
0xef: {  	v19 =	vld [tilespmem:s25+$0x4690];
	(xrf2) =	vadd.scan.msk.f32 $0xffff, v12;
	v12 =	vadd.f32 v14, v13;
	v13 =	vmul.f32 v40, v42;
	v14 =	vmul.f32 v41, v43  }
0xf0: {  	v23 =	vld [tilespmem:s25+$0x4670];
	v24 =	vmul.f32 v39, v43;
	(xrf2) =	vadd.scan.msk.f32 $0xffff, v0;
	v3 =	vadd.f32 v8, v3;
	v8 =	vmul.f32 v38, v42  }
0xf1: {  	v26 =	vld [tilespmem:s25+$0x660];
	v25 =	vmul.f32 v45, v11;
	(xrf2) =	vadd.scan.msk.f32 $0xffff, v12;
	v13 =	vadd.f32 v14, v13;
	v14 =	vmul.f32 v44, v10  }
0xf2: {  	v22 =	vld [tilespmem:s25+$0x690];
	v28 =	vmul.f32 v58, v60;
	v0, _, _ =	vpop (xrf2);
	(xrf2) =	vadd.scan.msk.f32 $0xffff, v3;
	v8 =	vadd.f32 v24, v8;
	v24 =	vmul.f32 v57, v59  }
0xf3: {  	v27 =	vld [tilespmem:s25+$0x670];
	v30 =	vmul.f32 v61, v60;
	v9 =	vmul.f32 v9, v16;
	v12, _, _ =	vpop (xrf2);
	(xrf2) =	vadd.scan.msk.f32 $0xffff, v13;
	v13 =	vadd.f32 v25, v14  }
0xf4: {  	v25 =	vmul.f32 v56, v59;
	v3, _, _ =	vpop (xrf2);
	(xrf2) =	vadd.scan.msk.f32 $0xffff, v8;
	v8 =	vadd.f32 v28, v24;
	v24 =	vmul.f32 v63, v15  }
0xf5: {  	v16 =	vmul.f32 v17, v16  }
0xf6: {  	v14, _, _ =	vpop (xrf2);
	(xrf2) =	vadd.scan.msk.f32 $0xffff, v13;
	v13 =	vadd.f32 v30, v25;
	v25 =	vmul.f32 v62, v15;
	v9 =	vadd.f32 v9, v24  }
0xf7: {  	v18 =	vmul.f32 v18, v21;
	v19 =	vmul.f32 v19, v22;
	v15, _, _ =	vpop (xrf2);
	(xrf2) =	vadd.scan.msk.f32 $0xffff, v8  }
0xf8: {  	v8, _, _ =	vpop (xrf2);
	(xrf2) =	vadd.scan.msk.f32 $0xffff, v13;
	v13 =	vadd.f32 v16, v25;
	v16 =	vmul.f32 v20, v26;
	v20 =	vmul.f32 v23, v27  }
0xf9: {  	v54 =	vld [tilespmem:s25+$0x650];
	v19 =	vadd.f32 v19, v18;
	v17, _, _ =	vpop (xrf2);
	(xrf2) =	vadd.scan.msk.f32 $0xffff, v9  }
0xfa: {  	v29 =	vld [tilespmem:s25+$0x8660];
	v9, _, _ =	vpop (xrf2);
	(xrf2) =	vadd.scan.msk.f32 $0xffff, v13;
	v13 =	vadd.f32 v20, v16  }
0xfb: {  	v31 =	vld [tilespmem:s25+$0x8670]  }
0xfc: {  	v28 =	vld [tilespmem:s25+$0x4640];
	v18, _, _ =	vpop (xrf2)  }
0xfd: {  	v30 =	vld [tilespmem:s25+$0x4650];
	(xrf2) =	vadd.scan.msk.f32 $0xffff, v19;
	v19, _, _ =	vpop (xrf2)  }
0xfe: {  	v24 =	vld [tilespmem:s25+$0x640];
	(xrf2) =	vadd.scan.msk.f32 $0xffff, v13;
	v13, _, _ =	vpop (xrf2)  }
0xff: {  	v55 =	vld [tilespmem:s25+$0x8640];
	v23, _, _ =	vpop (xrf2)  }
0x100: {  	v58 =	vld [tilespmem:s25+$0x4610];
	v29 =	vmul.f32 v29, v26;
	v27 =	vmul.f32 v31, v27;
	v16, _, _ =	vpop (xrf2)  }
0x101: {  	v56 =	vld [tilespmem:s25+$0x8650];
	v25, _, _ =	vpop (xrf2)  }
0x102: {  	v60 =	vld [tilespmem:s25+$0x610];
	v29 =	vadd.f32 v27, v29;
	v26, _, _ =	vpop (xrf2)  }
0x103: {  	v57 =	vld [tilespmem:s25+$0x4600];
	v30 =	vmul.f32 v30, v54;
	v28 =	vmul.f32 v28, v24;
	v20, _, _ =	vpop (xrf2)  }
0x104: {  	v59 =	vld [tilespmem:s25+$0x600];
	v27, _, _ =	vpop (xrf2);
	(xrf2) =	vadd.scan.msk.f32 $0xffff, v29  }
0x105: {  	v61 =	vld [tilespmem:s25+$0x8600];
	v28 =	vadd.f32 v30, v28  }
0x106: {  	v33 =	vld [tilespmem:s25+$0x4630];
	v34 =	vmul.f32 v56, v54;
	v63 =	vmul.f32 v55, v24  }
0x107: {  	v62 =	vld [tilespmem:s25+$0x8610];
	(xrf2) =	vadd.scan.msk.f32 $0xffff, v28  }
0x108: {  	v32 =	vld [tilespmem:s25+$0x620];
	v41 =	vadd.f32 v34, v63  }
0x109: {  	v36 =	vmul.f32 v58, v60;
	v31 =	vld [tilespmem:s25+$0x4620];
	v35 =	vmul.f32 v57, v59  }
0x10a: {  	v34 =	vld [tilespmem:s25+$0x630];
	v24, _, _ =	vpop (xrf2);
	(xrf2) =	vadd.scan.msk.f32 $0xffff, v41  }
0x10b: {  	v36 =	vadd.f32 v36, v35;
	v35 =	vld [tilespmem:s25+$0x8620];
	v29, _, _ =	vpop (xrf2)  }
0x10c: {  	s26 =	simm.s32 $0x1000;
	s24 =	simm.s32 $0xC600;
	s23 =	simm.s32 $0xC800;
	v37 =	vmul.f32 v61, v59;
	v38 =	vmul.f32 v62, v60;
	v30 =	vld [tilespmem:s25+$0x87E0];
	v28, _, _ =	vpop (xrf2)  }
.LBB2_2:
0x10d: {  	p0 =	sne.s32 s26, $0xF800;
	v39 =	vld [tilespmem:s25+$0x8630];
	(xrf2) =	vadd.scan.msk.f32 $0xffff, v36  }
0x10e: {  	v42 =	vadd.f32 v38, v37;
	v37 =	vld [tilespmem:s25+$0x87F0];
	v38, _, _ =	vpop (xrf2)  }
0x10f: {  	v31 =	vmul.f32 v31, v32;
	v33 =	vmul.f32 v33, v34;
	v40 =	vld [tilespmem:s25+$0x8680]  }
0x110: {  	v41 =	vld [tilespmem:s25+$0x8690];
	(xrf2) =	vadd.scan.msk.f32 $0xffff, v42  }
0x111: {  	v31 =	vadd.f32 v33, v31;
	v33 =	vld [tilespmem:s25+$0x87A0];
	v36, _, _ =	vpop (xrf2)  }
0x112: {  	v32 =	vmul.f32 v35, v32;
	v42 =	vmul.f32 v39, v34;
	v35 =	vld [tilespmem:s25+$0x86E0]  }
0x113: {  	v39 =	vld [tilespmem:s25+$0x86F0];
	(xrf2) =	vadd.scan.msk.f32 $0xffff, v31  }
0x114: {  	v31 =	vadd.f32 v42, v32;
	v32 =	vld [tilespmem:s25+$0x87B0];
	v34, _, _ =	vpop (xrf2)  }
0x115: {  	v21 =	vmul.f32 v40, v21;
	v42 =	vmul.f32 v41, v22;
	v40 =	vld [tilespmem:s25+$0x8740]  }
0x116: {  	v1 =	vmul.f32 v30, v1;
	v2 =	vmul.f32 v37, v2;
	v41 =	vld [tilespmem:s25+$0x8750];
	(xrf2) =	vadd.scan.msk.f32 $0xffff, v31  }
0x117: {  	v12 =	vbroadcast v12, $0xF;
	v5 =	vmul.f32 v33, v5;
	v21 =	vadd.f32 v42, v21;
	v22, _, _ =	vpop (xrf2)  }
0x118: {  	v10 =	vmul.f32 v35, v10;
	v11 =	vmul.f32 v39, v11  }
0x119: {  	v14 =	vbroadcast v14, $0xF;
	v4 =	vmul.f32 v32, v4;
	(xrf2) =	vadd.scan.msk.f32 $0xffff, v21  }
0x11a: {  	v15 =	vbroadcast v15, $0xF;
	v10 =	vadd.f32 v11, v10;
	v11 =	vbroadcast v17, $0xF;
	v17, _, _ =	vpop (xrf2)  }
0x11b: {  	v6 =	vmul.f32 v40, v6;
	v30 =	vmul.f32 v41, v7  }
0x11c: {  	v19 =	vbroadcast v19, $0xF;
	v18 =	vbroadcast v18, $0xF;
	(xrf2) =	vadd.scan.msk.f32 $0xffff, v10  }
0x11d: {  	v21 =	vbroadcast v23, $0xF;
	v10 =	vbroadcast v25, $0xF;
	v6 =	vadd.f32 v30, v6;
	v7, _, _ =	vpop (xrf2)  }
0x11e: {  	v23 =	vbroadcast v27, $0xF;
	v25 =	vbroadcast v26, $0xF  }
0x11f: {  	v27 =	vbroadcast v29, $0xF;
	v26 =	vbroadcast v36, $0xF;
	(xrf2) =	vadd.scan.msk.f32 $0xffff, v6  }
0x120: {  	v4 =	vadd.f32 v4, v5;
	v7 =	vbroadcast v7, $0xF;
	v6 =	vbroadcast v22, $0xF;
	v5, _, _ =	vpop (xrf2)  }
0x121: {  	v1 =	vadd.f32 v2, v1;
	v22 =	vbroadcast v17, $0xF;
	v5 =	vbroadcast v5, $0xF  }
0x122: {  	v2 =	vsel vm0, v6, v7;
	v6 =	vbroadcast v34, $0xF;
	v7 =	vbroadcast v28, $0xF;
	(xrf2) =	vadd.scan.msk.f32 $0xffff, v4  }
0x123: {  	v2 =	vsel vm1, v2, v26;
	v4 =	vsel vm0, v22, v5;
	v5 =	vbroadcast v38, $0xF;
	v17, _, _ =	vpop (xrf2)  }
0x124: {  	v2 =	vsel vm2, v2, v7;
	v4 =	vsel vm1, v4, v6;
	v6 =	vbroadcast v17, $0xF  }
0x125: {  	v2 =	vsel vm3, v2, v27;
	v4 =	vsel vm2, v4, v5;
	v5 =	vbroadcast v24, $0xF  }
0x126: {  	v17 =	vbroadcast v20, $0xF;
	v2 =	vsel vm4, v2, v23;
	v4 =	vsel vm3, v4, v6;
	v7, _, _ =	vpop (xrf2);
	(xrf2) =	vadd.scan.msk.f32 $0xffff, v1  }
0x127: {  	v2 =	vsel vm5, v2, v25;
	v1 =	vsel vm4, v4, v5;
	v4 =	vbroadcast v7, $0xF  }
0x128: {  	v2 =	vsel vm6, v2, v10;
	v5 =	vbroadcast v16, $0xF;
	v1 =	vsel vm5, v1, v17  }
0x129: {  	v2 =	vsel vm7, v2, v21;
	v1 =	vsel vm6, v1, v4;
	v4 =	vbroadcast v13, $0xF;
	v6, _, _ =	vpop (xrf2)  }
0x12a: {  	v2 =	vsel vm8, v2, v19;
	v1 =	vsel vm7, v1, v5;
	v5 =	vbroadcast v6, $0xF  }
0x12b: {  	v2 =	vsel vm9, v2, v18;
	v1 =	vsel vm8, v1, v4;
	v4 =	vbroadcast v9, $0xF  }
0x12c: {  	v2 =	vsel vm10, v2, v11;
	v1 =	vsel vm9, v1, v5;
	v5 =	vbroadcast v8, $0xF;
	v6, _, _ =	vpop (xrf2)  }
0x12d: {  	v2 =	vsel vm11, v2, v15;
	v1 =	vsel vm10, v1, v4;
	v4 =	vbroadcast v6, $0xF  }
0x12e: {  	v3 =	vbroadcast v3, $0xF;
	v1 =	vsel vm11, v1, v5;
	v5 =	vsel vm12, v2, v14  }
0x12f: {  	v1 =	vsel vm12, v1, v4;
	v4 =	vsel vm13, v5, v12  }
0x130: {  	s24 =	sadd.s32 $0x10, s24;
	v1 =	vsel vm13, v1, v3;
	v0 =	vsel vm14, v4, v0;
	v2, _, _ =	vpop (xrf2)  }
0x131: {  	s23 =	sadd.s32 $0x10, s23;
	v1 =	vsel vm14, v1, v2;
	[tilespmem:s24+$0x0] =	vst v0  }
0x132: {  	s25 =	sshra.s32 s26, $0x2;
	[tilespmem:s23+$0x0] =	vst v1  }
0x133: {  	v0 =	vld [tilespmem:s25+$0x47E0]  }
0x134: {  	v3 =	vld [tilespmem:s25+$0x47F0]  }
0x135: {  	v6 =	vld [tilespmem:s25+$0x87C0]  }
0x136: {  	v7 =	vld [tilespmem:s25+$0x87D0]  }
0x137: {  	v4 =	vld [tilespmem:s25+$0x47C0]  }
0x138: {  	v8 =	vld [tilespmem:s25+$0x47D0]  }
0x139: {  	v9 =	vld [tilespmem:s25+$0x47A0]  }
0x13a: {  	v1 =	vld [tilespmem:s25+$0x7E0]  }
0x13b: {  	v2 =	vld [tilespmem:s25+$0x7F0]  }
0x13c: {  	v10 =	vld [tilespmem:s25+$0x47B0]  }
0x13d: {  	v11 =	vld [tilespmem:s25+$0x7C0]  }
0x13e: {  	v12 =	vld [tilespmem:s25+$0x7D0]  }
0x13f: {  	v13 =	vld [tilespmem:s25+$0x8780]  }
0x140: {  	v0 =	vmul.f32 v0, v1;
	v14 =	vld [tilespmem:s25+$0x8790];
	v3 =	vmul.f32 v3, v2  }
0x141: {  	v15 =	vld [tilespmem:s25+$0x4780]  }
0x142: {  	v16 =	vld [tilespmem:s25+$0x4790];
	v0 =	vadd.f32 v3, v0  }
0x143: {  	v3 =	vmul.f32 v4, v11;
	v5 =	vld [tilespmem:s25+$0x7A0];
	v8 =	vmul.f32 v8, v12  }
0x144: {  	v4 =	vld [tilespmem:s25+$0x7B0];
	(xrf2) =	vadd.scan.msk.f32 $0xffff, v0  }
0x145: {  	v17 =	vld [tilespmem:s25+$0x8760];
	v0 =	vadd.f32 v8, v3  }
0x146: {  	v6 =	vmul.f32 v6, v11;
	v7 =	vmul.f32 v7, v12;
	v3 =	vld [tilespmem:s25+$0x780]  }
0x147: {  	v8 =	vld [tilespmem:s25+$0x790];
	(xrf2) =	vadd.scan.msk.f32 $0xffff, v0  }
0x148: {  	v0 =	vadd.f32 v7, v6;
	v11 =	vld [tilespmem:s25+$0x8770]  }
0x149: {  	v6 =	vmul.f32 v9, v5;
	v7 =	vld [tilespmem:s25+$0x4760];
	v9 =	vmul.f32 v10, v4  }
0x14a: {  	v10 =	vld [tilespmem:s25+$0x4770];
	(xrf2) =	vadd.scan.msk.f32 $0xffff, v0  }
0x14b: {  	v18 =	vld [tilespmem:s25+$0x4740];
	v19 =	vadd.f32 v9, v6  }
0x14c: {  	v6 =	vmul.f32 v15, v3;
	v9 =	vld [tilespmem:s25+$0x760];
	v12 =	vmul.f32 v16, v8  }
0x14d: {  	v15 =	vld [tilespmem:s25+$0x770];
	(xrf2) =	vadd.scan.msk.f32 $0xffff, v19  }
0x14e: {  	v16 =	vld [tilespmem:s25+$0x4750];
	v6 =	vadd.f32 v12, v6;
	v0, _, _ =	vpop (xrf2)  }
0x14f: {  	v3 =	vmul.f32 v13, v3;
	v8 =	vmul.f32 v14, v8;
	v19 =	vld [tilespmem:s25+$0x8720]  }
0x150: {  	v13 =	vld [tilespmem:s25+$0x8730];
	(xrf2) =	vadd.scan.msk.f32 $0xffff, v6  }
0x151: {  	v14 =	vadd.f32 v8, v3;
	v20 =	vld [tilespmem:s25+$0x4720];
	v12, _, _ =	vpop (xrf2)  }
0x152: {  	v8 =	vmul.f32 v7, v9;
	v6 =	vld [tilespmem:s25+$0x740];
	v10 =	vmul.f32 v10, v15  }
0x153: {  	v7 =	vld [tilespmem:s25+$0x750];
	(xrf2) =	vadd.scan.msk.f32 $0xffff, v14  }
0x154: {  	v21 =	vld [tilespmem:s25+$0x4730];
	v8 =	vadd.f32 v10, v8;
	v3, _, _ =	vpop (xrf2)  }
0x155: {  	v9 =	vmul.f32 v17, v9;
	v11 =	vmul.f32 v11, v15;
	v10 =	vld [tilespmem:s25+$0x720]  }
0x156: {  	v17 =	vld [tilespmem:s25+$0x730];
	(xrf2) =	vadd.scan.msk.f32 $0xffff, v8  }
0x157: {  	v8 =	vadd.f32 v11, v9;
	v22 =	vld [tilespmem:s25+$0x8700];
	v14, _, _ =	vpop (xrf2)  }
0x158: {  	v9 =	vmul.f32 v18, v6;
	v23 =	vld [tilespmem:s25+$0x8710];
	v11 =	vmul.f32 v16, v7  }
0x159: {  	v16 =	vld [tilespmem:s25+$0x4700];
	(xrf2) =	vadd.scan.msk.f32 $0xffff, v8  }
0x15a: {  	v18 =	vld [tilespmem:s25+$0x4710];
	v25 =	vadd.f32 v11, v9;
	v15, _, _ =	vpop (xrf2)  }
0x15b: {  	v9 =	vmul.f32 v20, v10;
	v24 =	vld [tilespmem:s25+$0x700];
	v11 =	vmul.f32 v21, v17  }
0x15c: {  	v20 =	vld [tilespmem:s25+$0x710];
	(xrf2) =	vadd.scan.msk.f32 $0xffff, v25  }
0x15d: {  	v21 =	vld [tilespmem:s25+$0x46E0];
	v9 =	vadd.f32 v11, v9;
	v8, _, _ =	vpop (xrf2)  }
0x15e: {  	v10 =	vmul.f32 v19, v10;
	v11 =	vmul.f32 v13, v17;
	v25 =	vld [tilespmem:s25+$0x46F0]  }
0x15f: {  	v26 =	vld [tilespmem:s25+$0x86C0];
	(xrf2) =	vadd.scan.msk.f32 $0xffff, v9  }
0x160: {  	v19 =	vadd.f32 v11, v10;
	v13 =	vld [tilespmem:s25+$0x46C0];
	v17, _, _ =	vpop (xrf2)  }
0x161: {  	v16 =	vmul.f32 v16, v24;
	v10 =	vld [tilespmem:s25+$0x6E0];
	v18 =	vmul.f32 v18, v20  }
0x162: {  	v11 =	vld [tilespmem:s25+$0x6F0];
	(xrf2) =	vadd.scan.msk.f32 $0xffff, v19  }
0x163: {  	v27 =	vld [tilespmem:s25+$0x46D0];
	v16 =	vadd.f32 v18, v16;
	v9, _, _ =	vpop (xrf2)  }
0x164: {  	v22 =	vmul.f32 v22, v24;
	v19 =	vmul.f32 v23, v20;
	v28 =	vld [tilespmem:s25+$0x6C0]  }
0x165: {  	v20 =	vld [tilespmem:s25+$0x6D0];
	(xrf2) =	vadd.scan.msk.f32 $0xffff, v16  }
0x166: {  	v23 =	vadd.f32 v19, v22;
	v16 =	vld [tilespmem:s25+$0x86D0];
	v18, _, _ =	vpop (xrf2)  }
0x167: {  	v21 =	vmul.f32 v21, v10;
	v24 =	vld [tilespmem:s25+$0x86A0];
	v22 =	vmul.f32 v25, v11  }
0x168: {  	v25 =	vld [tilespmem:s25+$0x46A0];
	(xrf2) =	vadd.scan.msk.f32 $0xffff, v23  }
0x169: {  	v29 =	vld [tilespmem:s25+$0x46B0];
	v21 =	vadd.f32 v22, v21;
	v19, _, _ =	vpop (xrf2)  }
0x16a: {  	v23 =	vmul.f32 v13, v28;
	v30 =	vld [tilespmem:s25+$0x6A0];
	v22 =	vmul.f32 v27, v20  }
0x16b: {  	v27 =	vld [tilespmem:s25+$0x6B0];
	(xrf2) =	vadd.scan.msk.f32 $0xffff, v21  }
0x16c: {  	v31 =	vld [tilespmem:s25+$0x86B0];
	v21 =	vadd.f32 v22, v23;
	v13, _, _ =	vpop (xrf2)  }
0x16d: {  	v16 =	vmul.f32 v16, v20;
	v22 =	vmul.f32 v26, v28;
	v32 =	vld [tilespmem:s25+$0x4680]  }
0x16e: {  	v20 =	vld [tilespmem:s25+$0x4690];
	(xrf2) =	vadd.scan.msk.f32 $0xffff, v21  }
0x16f: {  	v33 =	vadd.f32 v16, v22;
	v28 =	vld [tilespmem:s25+$0x4660];
	v23, _, _ =	vpop (xrf2)  }
0x170: {  	v25 =	vmul.f32 v25, v30;
	v21 =	vld [tilespmem:s25+$0x680];
	v26 =	vmul.f32 v29, v27  }
0x171: {  	v22 =	vld [tilespmem:s25+$0x690];
	(xrf2) =	vadd.scan.msk.f32 $0xffff, v33  }
0x172: {  	v29 =	vld [tilespmem:s25+$0x4670];
	v34 =	vadd.f32 v26, v25;
	v16, _, _ =	vpop (xrf2)  }
0x173: {  	v24 =	vmul.f32 v24, v30;
	v26 =	vmul.f32 v31, v27;
	v33 =	vld [tilespmem:s25+$0x660]  }
0x174: {  	v27 =	vld [tilespmem:s25+$0x670];
	(xrf2) =	vadd.scan.msk.f32 $0xffff, v34  }
0x175: {  	v24 =	vadd.f32 v26, v24;
	v30 =	vld [tilespmem:s25+$0x8660];
	v25, _, _ =	vpop (xrf2)  }
0x176: {  	v34 =	vmul.f32 v32, v21;
	v31 =	vld [tilespmem:s25+$0x8670];
	v20 =	vmul.f32 v20, v22  }
0x177: {  	v32 =	vld [tilespmem:s25+$0x4640];
	(xrf2) =	vadd.scan.msk.f32 $0xffff, v24  }
0x178: {  	v24 =	vld [tilespmem:s25+$0x4650];
	v37 =	vadd.f32 v20, v34;
	v26, _, _ =	vpop (xrf2)  }
0x179: {  	v28 =	vmul.f32 v28, v33;
	v34 =	vld [tilespmem:s25+$0x640];
	v29 =	vmul.f32 v29, v27  }
0x17a: {  	v35 =	vld [tilespmem:s25+$0x650];
	(xrf2) =	vadd.scan.msk.f32 $0xffff, v37  }
0x17b: {  	v36 =	vld [tilespmem:s25+$0x8640];
	v28 =	vadd.f32 v29, v28;
	v20, _, _ =	vpop (xrf2)  }
0x17c: {  	v30 =	vmul.f32 v30, v33;
	v31 =	vmul.f32 v31, v27;
	v29 =	vld [tilespmem:s25+$0x8650]  }
0x17d: {  	v37 =	vld [tilespmem:s25+$0x4600];
	(xrf2) =	vadd.scan.msk.f32 $0xffff, v28  }
0x17e: {  	v30 =	vadd.f32 v31, v30;
	v28 =	vld [tilespmem:s25+$0x4610];
	v27, _, _ =	vpop (xrf2)  }
0x17f: {  	v31 =	vmul.f32 v32, v34;
	v38 =	vld [tilespmem:s25+$0x600];
	v32 =	vmul.f32 v24, v35  }
0x180: {  	v39 =	vld [tilespmem:s25+$0x610];
	(xrf2) =	vadd.scan.msk.f32 $0xffff, v30  }
0x181: {  	v40 =	vld [tilespmem:s25+$0x8600];
	v30 =	vadd.f32 v32, v31;
	v24, _, _ =	vpop (xrf2)  }
0x182: {  	v32 =	vmul.f32 v36, v34;
	v34 =	vmul.f32 v29, v35;
	v41 =	vld [tilespmem:s25+$0x8610]  }
0x183: {  	v31 =	vld [tilespmem:s25+$0x4620];
	(xrf2) =	vadd.scan.msk.f32 $0xffff, v30  }
.Ltmp0:
0x184: {  	v30 =	vadd.f32 v34, v32;
	v33 =	vld [tilespmem:s25+$0x4630];
	v29, _, _ =	vpop (xrf2);
	(pc) =	sbr.rel @p0 .LBB2_2-.Ltmp0, $4  }
0x185: {  	v35 =	vmul.f32 v37, v38;
	v37 =	vmul.f32 v28, v39;
	v32 =	vld [tilespmem:s25+$0x620]  }
0x186: {  	v34 =	vld [tilespmem:s25+$0x630];
	(xrf2) =	vadd.scan.msk.f32 $0xffff, v30  }
0x187: {  	v36 =	vadd.f32 v37, v35;
	v30 =	vld [tilespmem:s25+$0x87E0];
	v28, _, _ =	vpop (xrf2)  }
0x188: {  	s26 =	sadd.s32 $0x800, s26;
	v37 =	vmul.f32 v40, v38;
	v38 =	vmul.f32 v41, v39;
	v35 =	vld [tilespmem:s25+$0x8620]  }
0x189: {  	v39 =	vld [tilespmem:s25+$0x8630];
	_ =	sdelay $0x1  }
0x18a: {  	v41 =	vld [tilespmem:s25+$0x8680]  }
0x18b: {  	v42 =	vld [tilespmem:s25+$0x8690]  }
0x18c: {  	v31 =	vmul.f32 v31, v32;
	v33 =	vmul.f32 v33, v34  }
0x18d: {  	v59 =	vld [tilespmem:s25+$0x86E0];
	v37 =	vadd.f32 v38, v37;
	v57 =	vmul.f32 v35, v32;
	v58 =	vmul.f32 v39, v34  }
0x18e: {  	(xrf2) =	vadd.scan.msk.f32 $0xffff, v36;
	v60 =	vld [tilespmem:s25+$0x86F0];
	v31 =	vadd.f32 v33, v31  }
0x18f: {  	v12 =	vbroadcast v12, $0xF;
	(xrf2) =	vadd.scan.msk.f32 $0xffff, v37;
	v32 =	vadd.f32 v58, v57  }
0x190: {  	v62 =	vld [tilespmem:s25+$0x8740];
	v21 =	vmul.f32 v41, v21;
	v22 =	vmul.f32 v42, v22;
	(xrf2) =	vadd.scan.msk.f32 $0xffff, v31  }
0x191: {  	v63 =	vld [tilespmem:s25+$0x8750];
	v14 =	vbroadcast v14, $0xF;
	v15 =	vbroadcast v15, $0xF;
	(xrf2) =	vadd.scan.msk.f32 $0xffff, v32  }
0x192: {  	v40 =	vld [tilespmem:s25+$0x87F0];
	v19 =	vbroadcast v19, $0xF;
	v18 =	vbroadcast v18, $0xF;
	v21 =	vadd.f32 v22, v21  }
0x193: {  	v43 =	vld [tilespmem:s25+$0x87A0];
	v10 =	vmul.f32 v59, v10;
	v11 =	vmul.f32 v60, v11  }
0x194: {  	v61 =	vld [tilespmem:s25+$0x87B0];
	v25 =	vbroadcast v25, $0xF;
	v23 =	vbroadcast v23, $0xF;
	(xrf2) =	vadd.scan.msk.f32 $0xffff, v21  }
0x195: {  	v27 =	vbroadcast v27, $0xF;
	v26 =	vbroadcast v26, $0xF;
	v33, _, _ =	vpop (xrf2);
	v10 =	vadd.f32 v11, v10  }
0x196: {  	v6 =	vmul.f32 v62, v6;
	v7 =	vmul.f32 v63, v7;
	v35, _, _ =	vpop (xrf2)  }
0x197: {  	v29 =	vbroadcast v29, $0xF;
	v45 =	vbroadcast v28, $0xF;
	v36, _, _ =	vpop (xrf2);
	(xrf2) =	vadd.scan.msk.f32 $0xffff, v10  }
0x198: {  	v1 =	vmul.f32 v30, v1;
	v2 =	vmul.f32 v40, v2;
	v6 =	vadd.f32 v7, v6;
	v37, _, _ =	vpop (xrf2)  }
0x199: {  	v5 =	vmul.f32 v43, v5;
	v4 =	vmul.f32 v61, v4;
	v38, _, _ =	vpop (xrf2)  }
0x19a: {  	v34 =	vbroadcast v17, $0xF;
	v17 =	vbroadcast v35, $0xF;
	(xrf2) =	vadd.scan.msk.f32 $0xffff, v6;
	v39, _, _ =	vpop (xrf2)  }
0x19b: {  	v4 =	vadd.f32 v4, v5;
	v40 =	vbroadcast v37, $0xF;
	v41 =	vbroadcast v39, $0xF;
	v42, _, _ =	vpop (xrf2)  }
0x19c: {  	v7 =	vbroadcast v38, $0xF;
	v5 =	vbroadcast v42, $0xF  }
0x19d: {  	v1 =	vadd.f32 v2, v1;
	v44 =	vbroadcast v36, $0xF;
	(xrf2) =	vadd.scan.msk.f32 $0xffff, v4;
	v43 =	vsel vm0, v40, v41  }
0x19e: {  	v47 =	vbroadcast v33, $0xF;
	v2 =	vsel vm1, v43, v17;
	v48, _, _ =	vpop (xrf2);
	v46 =	vsel vm0, v7, v5  }
0x19f: {  	v2 =	vsel vm2, v2, v45;
	v49 =	vbroadcast v48, $0xF;
	v4 =	vsel vm1, v46, v44  }
0x1a0: {  	v50 =	vbroadcast v24, $0xF;
	v2 =	vsel vm3, v2, v29;
	v4 =	vsel vm2, v4, v47  }
0x1a1: {  	v51 =	vbroadcast v20, $0xF;
	v52, _, _ =	vpop (xrf2);
	(xrf2) =	vadd.scan.msk.f32 $0xffff, v1;
	v2 =	vsel vm4, v2, v27;
	v4 =	vsel vm3, v4, v49  }
0x1a2: {  	v54 =	vbroadcast v52, $0xF;
	v2 =	vsel vm5, v2, v26;
	v53 =	vsel vm4, v4, v50  }
0x1a3: {  	v55 =	vbroadcast v16, $0xF;
	v2 =	vsel vm6, v2, v25;
	v1 =	vsel vm5, v53, v51  }
0x1a4: {  	v56 =	vbroadcast v13, $0xF;
	v57, _, _ =	vpop (xrf2);
	v2 =	vsel vm7, v2, v23;
	v1 =	vsel vm6, v1, v54  }
0x1a5: {  	v58 =	vbroadcast v57, $0xF;
	v2 =	vsel vm8, v2, v19;
	v1 =	vsel vm7, v1, v55  }
0x1a6: {  	v59 =	vbroadcast v9, $0xF;
	v2 =	vsel vm9, v2, v18;
	v1 =	vsel vm8, v1, v56  }
0x1a7: {  	v60 =	vbroadcast v8, $0xF;
	v61, _, _ =	vpop (xrf2);
	v2 =	vsel vm10, v2, v34;
	v1 =	vsel vm9, v1, v58  }
0x1a8: {  	v62 =	vbroadcast v61, $0xF;
	v2 =	vsel vm11, v2, v15;
	v1 =	vsel vm10, v1, v59  }
0x1a9: {  	v3 =	vbroadcast v3, $0xF;
	v2 =	vsel vm12, v2, v14;
	v1 =	vsel vm11, v1, v60  }
0x1aa: {  	v2 =	vsel vm13, v2, v12;
	v1 =	vsel vm12, v1, v62  }
0x1ab: {  	s24 =	sadd.s32 $0x10, s24;
	v63, _, _ =	vpop (xrf2);
	v0 =	vsel vm14, v2, v0;
	v1 =	vsel vm13, v1, v3  }
0x1ac: {  	s23 =	sadd.s32 $0x10, s23;
	[tilespmem:s24+$0x0] =	vst v0;
	v1 =	vsel vm14, v1, v63  }
0x1ad: {  	[tilespmem:s23+$0x0] =	vst v1  }
0x1ae: {  	[hbm4b:s8+s1] =	stream.linear.scatter [tilespmem:s20], [sflag:$0x4], $0x200, $0x38;
	[tilespmem:$0xCA00] =	vst v63  }
0x1af: {  	s22 =	sadd.s32 $0x1, s22;
	_ =	swait.ge [sflag:s11], $0x200  }
0x1b0: {  	p0 =	sne.s32 s22, s10;
	[sflag:s11] =	ssyncset.done $0x0  }
.Ltmp1:
0x1b1: {  	[sflag:s11] =	ssyncadd.s32 $0xFFFFFE00;
	(pc) =	sbr.rel @p0 .LBB2_1-.Ltmp1, $4  }
0x1b2: {  	[hbm4b:s9+s1] =	stream.linear.scatter [tilespmem:s21], [sflag:$0x4], $0x200, $0x38;
	[tilespmem:$0xCA00] =	vst v63  }
0x1b3: {  	_ =	swait.ge [sflag:s11], $0x200  }
0x1b4: {  	[sflag:s11] =	ssyncset.done $0x0  }
0x1b5: {  	[sflag:s11] =	ssyncadd.s32 $0xFFFFFE00  }
0x1b6: {  	_ =	sfence.sel $0x180000  }
0x1b7: {  	[bflag:$0x0] =	sbarrier.arrive $0xFFFF  }
0x1b8: {  	p0 =	sne.s32 s2, $0x0;
	_ =	strace $0x90000047  }
0x1b9: {  	s0 =	sadd.s32 @!p0 $0x100000, s0;
	[bflag:$0x2] =	sbarrier.arrive $0xFFFF  }
0x1ba: {  	[sflag:s0] =	ssyncadd.tile.s32 @!p0 $0x1;
	_ =	shalt  }
.Lfunc_end2:
_tile_overlayer_lowered:
.L_overlay_start_2:
0x1bb: {  	(tag) =	ssettag $0x2  }
0x1bc: {  	s0 =	rddreg [dreg:$0x0];
	s2 =	stileid.u32  }
0x1bd: {  	s1 =	rddreg [dreg:$0x1];
	p0 =	sne.s32 s2, $0x0  }
0x1be: {  	s3 =	rddreg [dreg:$0x2];
	[bflag:$0x3] =	sbarrier.arrive $0xFFFF;
	s2 =	simm.s32 @!p0 $0x1C04  }
0x1bf: {  	[timem:s3], [sflag:s2] =	dma.local @!p0 [hbm:s0], s1  }
0x1c0: {  	s0 =	simm.s32 @!p0 $0x4  }
0x1c1: {  	_ =	swait.ge @!p0 [sflag:s0], s1  }
0x1c2: {  	s1 =	ssub.s32 @!p0 $0x0, s1;
	[sflag:s0] =	ssyncset.done @!p0 $0x0  }
0x1c3: {  	[sflag:s0] =	ssyncadd.s32 @!p0 s1  }
0x1c4: {  	[bflag:$0x3] =	sbarrier.arrive $0xFFFF  }
0x1c5: {  	_ =	shalt  }

</sc_bundles>
